<compile_context>
chip_gen: v7x
topology: tpu7x:2x2x1
jax: 0.10.2.dev20260603
libtpu: 0.0.44.dev20260713+nightly
codegen_flags: <defaults>
</compile_context>

<pallas_src>
import functools

import jax
import jax.numpy as jnp
from jax import lax
from jax.experimental import pallas as pl
from jax.experimental.pallas import tpu as pltpu
from jax.experimental.pallas import tpu_sc as plsc

SOFTMAX_SCALE = 0.08838834764831845
B, SQ, H, D = 8, 8, 16, 128
SKV, K = 8192, 2048
ROWS = B * SQ * K
ROWS_PER_B = SQ * K

NC, NS, L = 2, 16, 16
NW = NC * NS
CHUNK = 128

NSLAB = 4
SLAB_ROWS = ROWS // NSLAB
SLAB_PAIRS = (B * SQ) // NSLAB


def _sc_gather_slab(slab, idx_slab, kvp, width=D):
    rpt = SLAB_ROWS // NW
    nch = rpt // CHUNK
    mesh = plsc.VectorSubcoreMesh(core_axis_name="c", subcore_axis_name="s")

    @functools.partial(
        pl.kernel,
        out_type=jax.ShapeDtypeStruct((SLAB_ROWS, width), jnp.int32),
        mesh=mesh,
        scratch_types=[
            pltpu.VMEM((rpt,), jnp.int32),
            pltpu.VMEM((CHUNK, width), jnp.int32),
            pltpu.VMEM((CHUNK, width), jnp.int32),
            pltpu.SemaphoreType.DMA,
            pltpu.SemaphoreType.DMA,
        ],
    )
    def gather_kernel(idx_hbm, kv_hbm, out_hbm, idx_v, buf0, buf1, sem0, sem1):
        wid = lax.axis_index("s") * NC + lax.axis_index("c")
        tbase = wid * rpt
        pltpu.sync_copy(idx_hbm.at[pl.ds(tbase, rpt)], idx_v)
        badd = ((slab * SLAB_ROWS + tbase) // ROWS_PER_B) * SKV

        def add_body(i, carry):
            off = pl.multiple_of(i * L, L)
            idx_v[pl.ds(off, L)] = idx_v[pl.ds(off, L)] + badd
            return carry

        lax.fori_loop(0, rpt // L, add_body, 0)

        def start_gather(c, buf, sem):
            src = kv_hbm.at[idx_v.at[pl.ds(pl.multiple_of(c * CHUNK, CHUNK), CHUNK)]]
            pltpu.make_async_copy(src, buf, sem).start()

        def wait_gather(c, buf, sem):
            src = kv_hbm.at[idx_v.at[pl.ds(pl.multiple_of(c * CHUNK, CHUNK), CHUNK)]]
            pltpu.make_async_copy(src, buf, sem).wait()

        def writeback(c, buf):
            row = pl.multiple_of(tbase + c * CHUNK, CHUNK)
            pltpu.sync_copy(buf, out_hbm.at[pl.ds(row, CHUNK)])

        start_gather(0, buf0, sem0)

        def loop_body(i, carry):
            a = i * 2
            start_gather(a + 1, buf1, sem1)
            wait_gather(a, buf0, sem0)
            writeback(a, buf0)

            @pl.when(a + 2 < nch)
            def _():
                start_gather(a + 2, buf0, sem0)

            wait_gather(a + 1, buf1, sem1)
            writeback(a + 1, buf1)
            return carry

        lax.fori_loop(0, nch // 2, loop_body, 0)

    return gather_kernel(idx_slab, kvp)


PP = 2


def _attn_tail(q, kb, vb, sink, o_ref, p_i):
    logits = lax.dot_general(
        q, kb, (((1,), (1,)), ((), ())), preferred_element_type=jnp.float32
    ) * SOFTMAX_SCALE
    m = jnp.maximum(jnp.max(logits, axis=1, keepdims=True), sink)
    e = jnp.exp(logits - m)
    denom = jnp.sum(e, axis=1, keepdims=True) + jnp.exp(sink - m)
    p = (e * (1.0 / denom)).astype(jnp.bfloat16)
    o_ref[p_i] = lax.dot_general(
        p, vb, (((1,), (0,)), ((), ())), preferred_element_type=jnp.float32
    )


def _attn_body(q_ref, kv_ref, sink_ref, o_ref):
    sink = sink_ref[...]
    for p_i in range(PP):
        q = q_ref[p_i]
        w = kv_ref[p_i]
        kf = lax.bitcast_convert_type(w << 16, jnp.float32)
        vf = lax.bitcast_convert_type(w & jnp.int32(-65536), jnp.float32)
        kb = kf.astype(jnp.bfloat16)
        vb = vf.astype(jnp.bfloat16)
        _attn_tail(q, kb, vb, sink, o_ref, p_i)


def _attn_body_f32(q_ref, kv_ref, sink_ref, o_ref):
    sink = sink_ref[...]
    for p_i in range(PP):
        q = q_ref[p_i]
        kv2 = lax.bitcast_convert_type(kv_ref[p_i], jnp.float32)
        kb = kv2[:, :D].astype(jnp.bfloat16)
        vb = kv2[:, D:].astype(jnp.bfloat16)
        _attn_tail(q, kb, vb, sink, o_ref, p_i)


def _tc_attention(q3, kv_sel3, sink_col, body=_attn_body, width=D):
    n = q3.shape[0]
    return pl.pallas_call(
        body,
        grid=(n // PP,),
        in_specs=[
            pl.BlockSpec((PP, H, D), lambda i: (i, 0, 0)),
            pl.BlockSpec((PP, K, width), lambda i: (i, 0, 0)),
            pl.BlockSpec((H, 1), lambda i: (0, 0)),
        ],
        out_specs=pl.BlockSpec((PP, H, D), lambda i: (i, 0, 0)),
        out_shape=jax.ShapeDtypeStruct((n, H, D), jnp.float32),
        compiler_params=pltpu.CompilerParams(
            dimension_semantics=("arbitrary",),
        ),
    )(q3, kv_sel3, sink_col)


def _pack_kv(kv):
    kvb = kv.astype(jnp.bfloat16)
    k16 = lax.bitcast_convert_type(kvb[..., :D], jnp.uint16).astype(jnp.uint32)
    v16 = lax.bitcast_convert_type(kvb[..., D:], jnp.uint16).astype(jnp.uint32)
    kvp = lax.bitcast_convert_type(k16 | (v16 << 16), jnp.int32)
    return kvp.reshape(-1, D)


BATCHES_PER_SLAB = B // NSLAB


def kernel(q, kv, attn_sink, topk_idxs):
    idx_flat = topk_idxs.reshape(NSLAB, SLAB_ROWS)
    q4 = q.astype(jnp.bfloat16).reshape(NSLAB, SLAB_PAIRS, H, D)
    sink_col = attn_sink.reshape(H, 1)

    def pack_slab(s):
        return _pack_kv(kv[s * BATCHES_PER_SLAB:(s + 1) * BATCHES_PER_SLAB])

    kv_raw0 = lax.bitcast_convert_type(
        kv[:BATCHES_PER_SLAB], jnp.int32
    ).reshape(BATCHES_PER_SLAB * SKV, 2 * D)
    kv_sels = [_sc_gather_slab(0, idx_flat[0], kv_raw0, width=2 * D)]
    outs = []
    for s in range(NSLAB):
        if s + 1 < NSLAB:
            kv_sels.append(_sc_gather_slab(0, idx_flat[s + 1], pack_slab(s + 1)))
        if s == 0:
            outs.append(
                _tc_attention(
                    q4[0], kv_sels[0].reshape(SLAB_PAIRS, K, 2 * D), sink_col,
                    body=_attn_body_f32, width=2 * D,
                )
            )
        else:
            outs.append(
                _tc_attention(q4[s], kv_sels[s].reshape(SLAB_PAIRS, K, D), sink_col)
            )
    return jnp.stack(outs).reshape(B, SQ, H, D)

# --- scband reference (transcript-rebuilt; emitter-appended) ---
"""Pipeline reference for scband-sparse-attn-module-29566554866379 (READ-ONLY COPY).

The authoritative reference and input builder live on the scoring server;
editing this copy changes nothing except your own understanding.
"""

import jax, jax.numpy as jnp
import numpy as np

SOFTMAX_SCALE = 0.08838834764831845
B, SQ, H, D = 8, 8, 16, 128
SKV, K = 8192, 2048


def setup_inputs(seed: int = 0) -> dict:
    key = jax.random.key(seed)
    k1, k2, k3, k4 = jax.random.split(key, 4)
    q = jax.random.normal(k1, (B, SQ, H, D), dtype=jnp.float32)
    kv = jax.random.normal(k2, (B, SKV, 2 * D), dtype=jnp.float32)
    attn_sink = jax.random.normal(k3, (H,), dtype=jnp.float32)
    topk_idxs = jax.random.randint(k4, (B, SQ, K), 0, SKV, dtype=jnp.int32)
    return {"q": q, "kv": kv, "attn_sink": attn_sink, "topk_idxs": topk_idxs}


def reference(q, kv, attn_sink, topk_idxs):
    # Sparse (top-k) attention with MQA-style shared kv and a per-head attention sink.
    # q: [B, SQ, H, D]; kv: [B, SKV, 2D] (k|v concat); topk_idxs: [B, SQ, K] into SKV.
    b = jnp.arange(q.shape[0])[:, None, None]
    kv_sel = kv[b, topk_idxs]                       # gather -> [B, SQ, K, 2D]
    k_sel, v_sel = jnp.split(kv_sel, 2, axis=-1)    # [B, SQ, K, D] each
    logits = jnp.einsum('bqhd,bqkd->bhqk', q, k_sel) * SOFTMAX_SCALE  # [B, H, SQ, K]
    sink = jnp.broadcast_to(attn_sink[None, :, None, None],
                            (logits.shape[0], logits.shape[1], logits.shape[2], 1))
    full = jnp.concatenate([logits, sink], axis=-1)  # [B, H, SQ, K+1]
    probs = jax.nn.softmax(full, axis=-1)
    out = jnp.einsum('bhqk,bqkd->bqhd', probs[..., :-1], v_sel)  # sink absorbs mass, emits nothing
    return out

if __name__ == "__main__":
    import jax
    _d = setup_inputs()
    print(jax.jit(kernel)(*tuple(_d.values())))

</pallas_src>

<mosaic_0001>
#map = affine_map<(d0, d1) -> (0)>
#map1 = affine_map<(d0, d1) -> (0, 0)>
module attributes {stable_mosaic.version = 14 : i64} {
  func.func @gather_kernel(%arg0: i32, %arg1: i32, %arg2: memref<32768xi32, #tpu.memory_space<hbm>>, %arg3: memref<16384x256xi32, #tpu.memory_space<hbm>>, %arg4: memref<32768x256xi32, #tpu.memory_space<hbm>>, %arg5: memref<1024xi32, #tpu.memory_space<vmem>>, %arg6: memref<128x256xi32, #tpu.memory_space<vmem>>, %arg7: memref<128x256xi32, #tpu.memory_space<vmem>>, %arg8: memref<!tpu.dma_semaphore, #tpu.memory_space<semaphore_mem>>, %arg9: memref<!tpu.dma_semaphore, #tpu.memory_space<semaphore_mem>>) attributes {dimension_semantics = [#tpu.dimension_semantics<core_parallel>, #tpu.dimension_semantics<subcore_parallel>], iteration_bounds = array<i64: 2, 16>, scalar_prefetch = 0 : i64, scratch_operands = 5 : i64, tpu.core_type = #tpu.core_type<sc_vector_subcore>, window_params = [{transform_indices = #map}, {transform_indices = #map1}, {transform_indices = #map1}]} {
    %mul3A = arith.constant 2 : i32
    %mul3A_0 = arith.muli %arg1, %mul3A : i32
    %add3A = arith.addi %mul3A_0, %arg0 : i32
    %mul3A_1 = arith.constant 1024 : i32
    %mul3A_2 = arith.muli %add3A, %mul3A_1 : i32
    "tpu.region"() ({
      %run_scoped3A = tpu.sem_alloc : memref<!tpu.dma_semaphore, #tpu.memory_space<semaphore_mem>>
      %dma_start3A_38 = tpu.memref_slice %arg2[%mul3A_2] : memref<32768xi32, #tpu.memory_space<hbm>> -> memref<1024xi32, #tpu.memory_space<hbm>>
      %dma_start3A_39 = tpu.memref_slice %arg2[%mul3A_2] : memref<32768xi32, #tpu.memory_space<hbm>> -> memref<1024xi32, #tpu.memory_space<hbm>>
      tpu.enqueue_dma source(%dma_start3A_39 : memref<1024xi32, #tpu.memory_space<hbm>>) target(%arg5 : memref<1024xi32, #tpu.memory_space<vmem>>) target_semaphore(%run_scoped3A : memref<!tpu.dma_semaphore, #tpu.memory_space<semaphore_mem>>)
      %dma_wait3A = tpu.memref_slice %arg2[%mul3A_2] : memref<32768xi32, #tpu.memory_space<hbm>> -> memref<1024xi32, #tpu.memory_space<hbm>>
      %dma_wait3A_40 = tpu.memref_slice %arg2[%mul3A_2] : memref<32768xi32, #tpu.memory_space<hbm>> -> memref<1024xi32, #tpu.memory_space<hbm>>
      tpu.wait_dma2 semaphore(%run_scoped3A : memref<!tpu.dma_semaphore, #tpu.memory_space<semaphore_mem>>) src(%dma_wait3A_40 : memref<1024xi32, #tpu.memory_space<hbm>>) dst(%arg5 : memref<1024xi32, #tpu.memory_space<vmem>>)
      tpu.yield
    }) : () -> ()
    %add3A_3 = arith.constant 0 : i32
    %add3A_4 = arith.addi %add3A_3, %mul3A_2 : i32
    %jit3A = arith.constant 16384 : i32
    %div3A = arith.divsi %add3A_4, %jit3A : i32
    %sign3A = arith.constant 0 : i32
    %sign3A_5 = arith.cmpi sgt, %add3A_4, %sign3A : i32
    %sign3A_6 = arith.extui %sign3A_5 : i1 to i32
    %sign3A_7 = arith.constant 0 : i32
    %sign3A_8 = arith.cmpi slt, %add3A_4, %sign3A_7 : i32
    %sign3A_9 = arith.extui %sign3A_8 : i1 to i32
    %sign3A_10 = arith.subi %sign3A_6, %sign3A_9 : i32
    %sign3A_11 = arith.constant 0 : i32
    %sign3A_12 = arith.cmpi sgt, %jit3A, %sign3A_11 : i32
    %sign3A_13 = arith.extui %sign3A_12 : i1 to i32
    %sign3A_14 = arith.constant 0 : i32
    %sign3A_15 = arith.cmpi slt, %jit3A, %sign3A_14 : i32
    %sign3A_16 = arith.extui %sign3A_15 : i1 to i32
    %sign3A_17 = arith.subi %sign3A_13, %sign3A_16 : i32
    %ne3A = arith.cmpi ne, %sign3A_10, %sign3A_17 : i32
    %rem3A = arith.remsi %add3A_4, %jit3A : i32
    %ne3A_18 = arith.constant 0 : i32
    %ne3A_19 = arith.cmpi ne, %rem3A, %ne3A_18 : i32
    %and3A = arith.andi %ne3A, %ne3A_19 : i1
    %sub3A = arith.constant 1 : i32
    %sub3A_20 = arith.subi %div3A, %sub3A : i32
    %select_n3A = arith.select %and3A, %sub3A_20, %div3A : i32
    %mul3A_21 = arith.constant 8192 : i32
    %mul3A_22 = arith.muli %select_n3A, %mul3A_21 : i32
    %scan3A = arith.constant 0 : i32
    %scan3A_23 = arith.constant 0 : i32
    %scan3A_24 = arith.constant 64 : i32
    %scan3A_25 = arith.addi %scan3A_23, %scan3A_24 : i32
    %scan3A_26 = arith.constant 1 : i32
    scf.for %scan3A_38 = %scan3A_23 to %scan3A_25 step %scan3A_26  : i32 {
      %mul3A_39 = arith.constant 16 : i32
      %mul3A_40 = arith.muli %scan3A_38, %mul3A_39 : i32
      %multiple_of3A_41 = tpu.assume_multiple %mul3A_40, 16 : i32
      %get3A = arith.index_cast %multiple_of3A_41 : i32 to index
      %get3A_42 = tpu.vector_load %arg5[%get3A] {strides = array<i32>} : memref<1024xi32, #tpu.memory_space<vmem>>, vector<16xi32>,
      %get3A_43 = vector.shape_cast %get3A_42 : vector<16xi32> to vector<16xi32>
      %add3A_44 = vector.broadcast %mul3A_22 : i32 to vector<16xi32>
      %add3A_45 = arith.addi %get3A_43, %add3A_44 : vector<16xi32>
      %swap3A = arith.index_cast %multiple_of3A_41 : i32 to index
      %swap3A_46 = tpu.vector_load %arg5[%swap3A] {strides = array<i32>} : memref<1024xi32, #tpu.memory_space<vmem>>, vector<16xi32>,
      %swap3A_47 = vector.shape_cast %swap3A_46 : vector<16xi32> to vector<16xi32>
      %swap3A_48 = vector.shape_cast %add3A_45 : vector<16xi32> to vector<16xi32>
      tpu.vector_store %arg5[%swap3A], %swap3A_48 {strides = array<i32>} : memref<1024xi32, #tpu.memory_space<vmem>>, vector<16xi32>,
    }
    %scan3A_27 = arith.constant 64 : i32
    %multiple_of3A = arith.constant 0 : i32
    %multiple_of3A_28 = tpu.assume_multiple %multiple_of3A, 128 : i32
    %dma_start3A = tpu.memref_slice %arg5[%multiple_of3A_28] : memref<1024xi32, #tpu.memory_space<vmem>> -> memref<128xi32, #tpu.memory_space<vmem>>
    %dma_start3A_29 = arith.constant 0 : i32
    %dma_start3A_30 = arith.constant 0 : i32
    %dma_start3A_31 = tpu.memref_slice %arg3[%dma_start3A_29, %dma_start3A_30] : memref<16384x256xi32, #tpu.memory_space<hbm>> -> memref<16384x256xi32, #tpu.memory_space<hbm>>
    tpu.enqueue_indirect_dma source(%dma_start3A_31 : memref<16384x256xi32, #tpu.memory_space<hbm>>) target(%arg6 : memref<128x256xi32, #tpu.memory_space<vmem>>) offsets(%dma_start3A : memref<128xi32, #tpu.memory_space<vmem>>) semaphore(%arg8 : memref<!tpu.dma_semaphore, #tpu.memory_space<semaphore_mem>>)
    %scan3A_32 = arith.constant 0 : i32
    %scan3A_33 = arith.constant 0 : i32
    %scan3A_34 = arith.constant 4 : i32
    %scan3A_35 = arith.addi %scan3A_33, %scan3A_34 : i32
    %scan3A_36 = arith.constant 1 : i32
    scf.for %scan3A_38 = %scan3A_33 to %scan3A_35 step %scan3A_36  : i32 {
      %mul3A_39 = arith.constant 2 : i32
      %mul3A_40 = arith.muli %scan3A_38, %mul3A_39 : i32
      %add3A_41 = arith.constant 1 : i32
      %add3A_42 = arith.addi %mul3A_40, %add3A_41 : i32
      %mul3A_43 = arith.constant 128 : i32
      %mul3A_44 = arith.muli %add3A_42, %mul3A_43 : i32
      %multiple_of3A_45 = tpu.assume_multiple %mul3A_44, 128 : i32
      %dma_start3A_46 = tpu.memref_slice %arg5[%multiple_of3A_45] : memref<1024xi32, #tpu.memory_space<vmem>> -> memref<128xi32, #tpu.memory_space<vmem>>
      %dma_start3A_47 = arith.constant 0 : i32
      %dma_start3A_48 = arith.constant 0 : i32
      %dma_start3A_49 = tpu.memref_slice %arg3[%dma_start3A_47, %dma_start3A_48] : memref<16384x256xi32, #tpu.memory_space<hbm>> -> memref<16384x256xi32, #tpu.memory_space<hbm>>
      tpu.enqueue_indirect_dma source(%dma_start3A_49 : memref<16384x256xi32, #tpu.memory_space<hbm>>) target(%arg7 : memref<128x256xi32, #tpu.memory_space<vmem>>) offsets(%dma_start3A_46 : memref<128xi32, #tpu.memory_space<vmem>>) semaphore(%arg9 : memref<!tpu.dma_semaphore, #tpu.memory_space<semaphore_mem>>)
      %mul3A_50 = arith.constant 128 : i32
      %mul3A_51 = arith.muli %mul3A_40, %mul3A_50 : i32
      %multiple_of3A_52 = tpu.assume_multiple %mul3A_51, 128 : i32
      %dma_wait3A = tpu.memref_slice %arg5[%multiple_of3A_52] : memref<1024xi32, #tpu.memory_space<vmem>> -> memref<128xi32, #tpu.memory_space<vmem>>
      %dma_wait3A_53 = arith.constant 0 : i32
      %dma_wait3A_54 = arith.constant 0 : i32
      %dma_wait3A_55 = tpu.memref_slice %arg3[%dma_wait3A_53, %dma_wait3A_54] : memref<16384x256xi32, #tpu.memory_space<hbm>> -> memref<16384x256xi32, #tpu.memory_space<hbm>>
      tpu.wait_indirect_dma semaphore(%arg8 : memref<!tpu.dma_semaphore, #tpu.memory_space<semaphore_mem>>) src(%dma_wait3A_55 : memref<16384x256xi32, #tpu.memory_space<hbm>>) dst(%arg6 : memref<128x256xi32, #tpu.memory_space<vmem>>)
      %mul3A_56 = arith.constant 128 : i32
      %mul3A_57 = arith.muli %mul3A_40, %mul3A_56 : i32
      %add3A_58 = arith.addi %mul3A_2, %mul3A_57 : i32
      %multiple_of3A_59 = tpu.assume_multiple %add3A_58, 128 : i32
      "tpu.region"() ({
        %run_scoped3A = tpu.sem_alloc : memref<!tpu.dma_semaphore, #tpu.memory_space<semaphore_mem>>
        %dma_start3A_79 = arith.constant 0 : i32
        %dma_start3A_80 = tpu.memref_slice %arg4[%multiple_of3A_59, %dma_start3A_79] : memref<32768x256xi32, #tpu.memory_space<hbm>> -> memref<128x256xi32, #tpu.memory_space<hbm>>
        %dma_start3A_81 = arith.constant 0 : i32
        %dma_start3A_82 = tpu.memref_slice %arg4[%multiple_of3A_59, %dma_start3A_81] : memref<32768x256xi32, #tpu.memory_space<hbm>> -> memref<128x256xi32, #tpu.memory_space<hbm>>
        tpu.enqueue_dma source(%arg6 : memref<128x256xi32, #tpu.memory_space<vmem>>) target(%dma_start3A_82 : memref<128x256xi32, #tpu.memory_space<hbm>>) target_semaphore(%run_scoped3A : memref<!tpu.dma_semaphore, #tpu.memory_space<semaphore_mem>>)
        %dma_wait3A_83 = arith.constant 0 : i32
        %dma_wait3A_84 = tpu.memref_slice %arg4[%multiple_of3A_59, %dma_wait3A_83] : memref<32768x256xi32, #tpu.memory_space<hbm>> -> memref<128x256xi32, #tpu.memory_space<hbm>>
        %dma_wait3A_85 = arith.constant 0 : i32
        %dma_wait3A_86 = tpu.memref_slice %arg4[%multiple_of3A_59, %dma_wait3A_85] : memref<32768x256xi32, #tpu.memory_space<hbm>> -> memref<128x256xi32, #tpu.memory_space<hbm>>
        tpu.wait_dma2 semaphore(%run_scoped3A : memref<!tpu.dma_semaphore, #tpu.memory_space<semaphore_mem>>) src(%arg6 : memref<128x256xi32, #tpu.memory_space<vmem>>) dst(%dma_wait3A_86 : memref<128x256xi32, #tpu.memory_space<hbm>>)
        tpu.yield
      }) : () -> ()
      %add3A_60 = arith.constant 2 : i32
      %add3A_61 = arith.addi %mul3A_40, %add3A_60 : i32
      %lt3A = arith.constant 8 : i32
      %lt3A_62 = arith.cmpi slt, %add3A_61, %lt3A : i32
      %convert_element_type3A = arith.extui %lt3A_62 : i1 to i32
      %cond3A = arith.constant 0 : i32
      %cond3A_63 = arith.cmpi ne, %convert_element_type3A, %cond3A : i32
      scf.if %cond3A_63 {
        %add3A_79 = arith.constant 2 : i32
        %add3A_80 = arith.addi %mul3A_40, %add3A_79 : i32
        %mul3A_81 = arith.constant 128 : i32
        %mul3A_82 = arith.muli %add3A_80, %mul3A_81 : i32
        %multiple_of3A_83 = tpu.assume_multiple %mul3A_82, 128 : i32
        %dma_start3A_84 = tpu.memref_slice %arg5[%multiple_of3A_83] : memref<1024xi32, #tpu.memory_space<vmem>> -> memref<128xi32, #tpu.memory_space<vmem>>
        %dma_start3A_85 = arith.constant 0 : i32
        %dma_start3A_86 = arith.constant 0 : i32
        %dma_start3A_87 = tpu.memref_slice %arg3[%dma_start3A_85, %dma_start3A_86] : memref<16384x256xi32, #tpu.memory_space<hbm>> -> memref<16384x256xi32, #tpu.memory_space<hbm>>
        tpu.enqueue_indirect_dma source(%dma_start3A_87 : memref<16384x256xi32, #tpu.memory_space<hbm>>) target(%arg6 : memref<128x256xi32, #tpu.memory_space<vmem>>) offsets(%dma_start3A_84 : memref<128xi32, #tpu.memory_space<vmem>>) semaphore(%arg8 : memref<!tpu.dma_semaphore, #tpu.memory_space<semaphore_mem>>)
      } else {
      }
      %add3A_64 = arith.constant 1 : i32
      %add3A_65 = arith.addi %mul3A_40, %add3A_64 : i32
      %mul3A_66 = arith.constant 128 : i32
      %mul3A_67 = arith.muli %add3A_65, %mul3A_66 : i32
      %multiple_of3A_68 = tpu.assume_multiple %mul3A_67, 128 : i32
      %dma_wait3A_69 = tpu.memref_slice %arg5[%multiple_of3A_68] : memref<1024xi32, #tpu.memory_space<vmem>> -> memref<128xi32, #tpu.memory_space<vmem>>
      %dma_wait3A_70 = arith.constant 0 : i32
      %dma_wait3A_71 = arith.constant 0 : i32
      %dma_wait3A_72 = tpu.memref_slice %arg3[%dma_wait3A_70, %dma_wait3A_71] : memref<16384x256xi32, #tpu.memory_space<hbm>> -> memref<16384x256xi32, #tpu.memory_space<hbm>>
      tpu.wait_indirect_dma semaphore(%arg9 : memref<!tpu.dma_semaphore, #tpu.memory_space<semaphore_mem>>) src(%dma_wait3A_72 : memref<16384x256xi32, #tpu.memory_space<hbm>>) dst(%arg7 : memref<128x256xi32, #tpu.memory_space<vmem>>)
      %add3A_73 = arith.constant 1 : i32
      %add3A_74 = arith.addi %mul3A_40, %add3A_73 : i32
      %mul3A_75 = arith.constant 128 : i32
      %mul3A_76 = arith.muli %add3A_74, %mul3A_75 : i32
      %add3A_77 = arith.addi %mul3A_2, %mul3A_76 : i32
      %multiple_of3A_78 = tpu.assume_multiple %add3A_77, 128 : i32
      "tpu.region"() ({
        %run_scoped3A = tpu.sem_alloc : memref<!tpu.dma_semaphore, #tpu.memory_space<semaphore_mem>>
        %dma_start3A_79 = arith.constant 0 : i32
        %dma_start3A_80 = tpu.memref_slice %arg4[%multiple_of3A_78, %dma_start3A_79] : memref<32768x256xi32, #tpu.memory_space<hbm>> -> memref<128x256xi32, #tpu.memory_space<hbm>>
        %dma_start3A_81 = arith.constant 0 : i32
        %dma_start3A_82 = tpu.memref_slice %arg4[%multiple_of3A_78, %dma_start3A_81] : memref<32768x256xi32, #tpu.memory_space<hbm>> -> memref<128x256xi32, #tpu.memory_space<hbm>>
        tpu.enqueue_dma source(%arg7 : memref<128x256xi32, #tpu.memory_space<vmem>>) target(%dma_start3A_82 : memref<128x256xi32, #tpu.memory_space<hbm>>) target_semaphore(%run_scoped3A : memref<!tpu.dma_semaphore, #tpu.memory_space<semaphore_mem>>)
        %dma_wait3A_83 = arith.constant 0 : i32
        %dma_wait3A_84 = tpu.memref_slice %arg4[%multiple_of3A_78, %dma_wait3A_83] : memref<32768x256xi32, #tpu.memory_space<hbm>> -> memref<128x256xi32, #tpu.memory_space<hbm>>
        %dma_wait3A_85 = arith.constant 0 : i32
        %dma_wait3A_86 = tpu.memref_slice %arg4[%multiple_of3A_78, %dma_wait3A_85] : memref<32768x256xi32, #tpu.memory_space<hbm>> -> memref<128x256xi32, #tpu.memory_space<hbm>>
        tpu.wait_dma2 semaphore(%run_scoped3A : memref<!tpu.dma_semaphore, #tpu.memory_space<semaphore_mem>>) src(%arg7 : memref<128x256xi32, #tpu.memory_space<vmem>>) dst(%dma_wait3A_86 : memref<128x256xi32, #tpu.memory_space<hbm>>)
        tpu.yield
      }) : () -> ()
    }
    %scan3A_37 = arith.constant 4 : i32
    return
  }
}

#map = affine_map<(d0, d1) -> (0)>
#map1 = affine_map<(d0, d1) -> (0, 0)>
module attributes {stable_mosaic.version = 14 : i64} {
  func.func @gather_kernel(%arg0: i32, %arg1: i32, %arg2: memref<32768xi32, #tpu.memory_space<hbm>>, %arg3: memref<16384x128xi32, #tpu.memory_space<hbm>>, %arg4: memref<32768x128xi32, #tpu.memory_space<hbm>>, %arg5: memref<1024xi32, #tpu.memory_space<vmem>>, %arg6: memref<128x128xi32, #tpu.memory_space<vmem>>, %arg7: memref<128x128xi32, #tpu.memory_space<vmem>>, %arg8: memref<!tpu.dma_semaphore, #tpu.memory_space<semaphore_mem>>, %arg9: memref<!tpu.dma_semaphore, #tpu.memory_space<semaphore_mem>>) attributes {dimension_semantics = [#tpu.dimension_semantics<core_parallel>, #tpu.dimension_semantics<subcore_parallel>], iteration_bounds = array<i64: 2, 16>, scalar_prefetch = 0 : i64, scratch_operands = 5 : i64, tpu.core_type = #tpu.core_type<sc_vector_subcore>, window_params = [{transform_indices = #map}, {transform_indices = #map1}, {transform_indices = #map1}]} {
    %mul3A = arith.constant 2 : i32
    %mul3A_0 = arith.muli %arg1, %mul3A : i32
    %add3A = arith.addi %mul3A_0, %arg0 : i32
    %mul3A_1 = arith.constant 1024 : i32
    %mul3A_2 = arith.muli %add3A, %mul3A_1 : i32
    "tpu.region"() ({
      %run_scoped3A = tpu.sem_alloc : memref<!tpu.dma_semaphore, #tpu.memory_space<semaphore_mem>>
      %dma_start3A_38 = tpu.memref_slice %arg2[%mul3A_2] : memref<32768xi32, #tpu.memory_space<hbm>> -> memref<1024xi32, #tpu.memory_space<hbm>>
      %dma_start3A_39 = tpu.memref_slice %arg2[%mul3A_2] : memref<32768xi32, #tpu.memory_space<hbm>> -> memref<1024xi32, #tpu.memory_space<hbm>>
      tpu.enqueue_dma source(%dma_start3A_39 : memref<1024xi32, #tpu.memory_space<hbm>>) target(%arg5 : memref<1024xi32, #tpu.memory_space<vmem>>) target_semaphore(%run_scoped3A : memref<!tpu.dma_semaphore, #tpu.memory_space<semaphore_mem>>)
      %dma_wait3A = tpu.memref_slice %arg2[%mul3A_2] : memref<32768xi32, #tpu.memory_space<hbm>> -> memref<1024xi32, #tpu.memory_space<hbm>>
      %dma_wait3A_40 = tpu.memref_slice %arg2[%mul3A_2] : memref<32768xi32, #tpu.memory_space<hbm>> -> memref<1024xi32, #tpu.memory_space<hbm>>
      tpu.wait_dma2 semaphore(%run_scoped3A : memref<!tpu.dma_semaphore, #tpu.memory_space<semaphore_mem>>) src(%dma_wait3A_40 : memref<1024xi32, #tpu.memory_space<hbm>>) dst(%arg5 : memref<1024xi32, #tpu.memory_space<vmem>>)
      tpu.yield
    }) : () -> ()
    %add3A_3 = arith.constant 0 : i32
    %add3A_4 = arith.addi %add3A_3, %mul3A_2 : i32
    %jit3A = arith.constant 16384 : i32
    %div3A = arith.divsi %add3A_4, %jit3A : i32
    %sign3A = arith.constant 0 : i32
    %sign3A_5 = arith.cmpi sgt, %add3A_4, %sign3A : i32
    %sign3A_6 = arith.extui %sign3A_5 : i1 to i32
    %sign3A_7 = arith.constant 0 : i32
    %sign3A_8 = arith.cmpi slt, %add3A_4, %sign3A_7 : i32
    %sign3A_9 = arith.extui %sign3A_8 : i1 to i32
    %sign3A_10 = arith.subi %sign3A_6, %sign3A_9 : i32
    %sign3A_11 = arith.constant 0 : i32
    %sign3A_12 = arith.cmpi sgt, %jit3A, %sign3A_11 : i32
    %sign3A_13 = arith.extui %sign3A_12 : i1 to i32
    %sign3A_14 = arith.constant 0 : i32
    %sign3A_15 = arith.cmpi slt, %jit3A, %sign3A_14 : i32
    %sign3A_16 = arith.extui %sign3A_15 : i1 to i32
    %sign3A_17 = arith.subi %sign3A_13, %sign3A_16 : i32
    %ne3A = arith.cmpi ne, %sign3A_10, %sign3A_17 : i32
    %rem3A = arith.remsi %add3A_4, %jit3A : i32
    %ne3A_18 = arith.constant 0 : i32
    %ne3A_19 = arith.cmpi ne, %rem3A, %ne3A_18 : i32
    %and3A = arith.andi %ne3A, %ne3A_19 : i1
    %sub3A = arith.constant 1 : i32
    %sub3A_20 = arith.subi %div3A, %sub3A : i32
    %select_n3A = arith.select %and3A, %sub3A_20, %div3A : i32
    %mul3A_21 = arith.constant 8192 : i32
    %mul3A_22 = arith.muli %select_n3A, %mul3A_21 : i32
    %scan3A = arith.constant 0 : i32
    %scan3A_23 = arith.constant 0 : i32
    %scan3A_24 = arith.constant 64 : i32
    %scan3A_25 = arith.addi %scan3A_23, %scan3A_24 : i32
    %scan3A_26 = arith.constant 1 : i32
    scf.for %scan3A_38 = %scan3A_23 to %scan3A_25 step %scan3A_26  : i32 {
      %mul3A_39 = arith.constant 16 : i32
      %mul3A_40 = arith.muli %scan3A_38, %mul3A_39 : i32
      %multiple_of3A_41 = tpu.assume_multiple %mul3A_40, 16 : i32
      %get3A = arith.index_cast %multiple_of3A_41 : i32 to index
      %get3A_42 = tpu.vector_load %arg5[%get3A] {strides = array<i32>} : memref<1024xi32, #tpu.memory_space<vmem>>, vector<16xi32>,
      %get3A_43 = vector.shape_cast %get3A_42 : vector<16xi32> to vector<16xi32>
      %add3A_44 = vector.broadcast %mul3A_22 : i32 to vector<16xi32>
      %add3A_45 = arith.addi %get3A_43, %add3A_44 : vector<16xi32>
      %swap3A = arith.index_cast %multiple_of3A_41 : i32 to index
      %swap3A_46 = tpu.vector_load %arg5[%swap3A] {strides = array<i32>} : memref<1024xi32, #tpu.memory_space<vmem>>, vector<16xi32>,
      %swap3A_47 = vector.shape_cast %swap3A_46 : vector<16xi32> to vector<16xi32>
      %swap3A_48 = vector.shape_cast %add3A_45 : vector<16xi32> to vector<16xi32>
      tpu.vector_store %arg5[%swap3A], %swap3A_48 {strides = array<i32>} : memref<1024xi32, #tpu.memory_space<vmem>>, vector<16xi32>,
    }
    %scan3A_27 = arith.constant 64 : i32
    %multiple_of3A = arith.constant 0 : i32
    %multiple_of3A_28 = tpu.assume_multiple %multiple_of3A, 128 : i32
    %dma_start3A = tpu.memref_slice %arg5[%multiple_of3A_28] : memref<1024xi32, #tpu.memory_space<vmem>> -> memref<128xi32, #tpu.memory_space<vmem>>
    %dma_start3A_29 = arith.constant 0 : i32
    %dma_start3A_30 = arith.constant 0 : i32
    %dma_start3A_31 = tpu.memref_slice %arg3[%dma_start3A_29, %dma_start3A_30] : memref<16384x128xi32, #tpu.memory_space<hbm>> -> memref<16384x128xi32, #tpu.memory_space<hbm>>
    tpu.enqueue_indirect_dma source(%dma_start3A_31 : memref<16384x128xi32, #tpu.memory_space<hbm>>) target(%arg6 : memref<128x128xi32, #tpu.memory_space<vmem>>) offsets(%dma_start3A : memref<128xi32, #tpu.memory_space<vmem>>) semaphore(%arg8 : memref<!tpu.dma_semaphore, #tpu.memory_space<semaphore_mem>>)
    %scan3A_32 = arith.constant 0 : i32
    %scan3A_33 = arith.constant 0 : i32
    %scan3A_34 = arith.constant 4 : i32
    %scan3A_35 = arith.addi %scan3A_33, %scan3A_34 : i32
    %scan3A_36 = arith.constant 1 : i32
    scf.for %scan3A_38 = %scan3A_33 to %scan3A_35 step %scan3A_36  : i32 {
      %mul3A_39 = arith.constant 2 : i32
      %mul3A_40 = arith.muli %scan3A_38, %mul3A_39 : i32
      %add3A_41 = arith.constant 1 : i32
      %add3A_42 = arith.addi %mul3A_40, %add3A_41 : i32
      %mul3A_43 = arith.constant 128 : i32
      %mul3A_44 = arith.muli %add3A_42, %mul3A_43 : i32
      %multiple_of3A_45 = tpu.assume_multiple %mul3A_44, 128 : i32
      %dma_start3A_46 = tpu.memref_slice %arg5[%multiple_of3A_45] : memref<1024xi32, #tpu.memory_space<vmem>> -> memref<128xi32, #tpu.memory_space<vmem>>
      %dma_start3A_47 = arith.constant 0 : i32
      %dma_start3A_48 = arith.constant 0 : i32
      %dma_start3A_49 = tpu.memref_slice %arg3[%dma_start3A_47, %dma_start3A_48] : memref<16384x128xi32, #tpu.memory_space<hbm>> -> memref<16384x128xi32, #tpu.memory_space<hbm>>
      tpu.enqueue_indirect_dma source(%dma_start3A_49 : memref<16384x128xi32, #tpu.memory_space<hbm>>) target(%arg7 : memref<128x128xi32, #tpu.memory_space<vmem>>) offsets(%dma_start3A_46 : memref<128xi32, #tpu.memory_space<vmem>>) semaphore(%arg9 : memref<!tpu.dma_semaphore, #tpu.memory_space<semaphore_mem>>)
      %mul3A_50 = arith.constant 128 : i32
      %mul3A_51 = arith.muli %mul3A_40, %mul3A_50 : i32
      %multiple_of3A_52 = tpu.assume_multiple %mul3A_51, 128 : i32
      %dma_wait3A = tpu.memref_slice %arg5[%multiple_of3A_52] : memref<1024xi32, #tpu.memory_space<vmem>> -> memref<128xi32, #tpu.memory_space<vmem>>
      %dma_wait3A_53 = arith.constant 0 : i32
      %dma_wait3A_54 = arith.constant 0 : i32
      %dma_wait3A_55 = tpu.memref_slice %arg3[%dma_wait3A_53, %dma_wait3A_54] : memref<16384x128xi32, #tpu.memory_space<hbm>> -> memref<16384x128xi32, #tpu.memory_space<hbm>>
      tpu.wait_indirect_dma semaphore(%arg8 : memref<!tpu.dma_semaphore, #tpu.memory_space<semaphore_mem>>) src(%dma_wait3A_55 : memref<16384x128xi32, #tpu.memory_space<hbm>>) dst(%arg6 : memref<128x128xi32, #tpu.memory_space<vmem>>)
      %mul3A_56 = arith.constant 128 : i32
      %mul3A_57 = arith.muli %mul3A_40, %mul3A_56 : i32
      %add3A_58 = arith.addi %mul3A_2, %mul3A_57 : i32
      %multiple_of3A_59 = tpu.assume_multiple %add3A_58, 128 : i32
      "tpu.region"() ({
        %run_scoped3A = tpu.sem_alloc : memref<!tpu.dma_semaphore, #tpu.memory_space<semaphore_mem>>
        %dma_start3A_79 = arith.constant 0 : i32
        %dma_start3A_80 = tpu.memref_slice %arg4[%multiple_of3A_59, %dma_start3A_79] : memref<32768x128xi32, #tpu.memory_space<hbm>> -> memref<128x128xi32, #tpu.memory_space<hbm>>
        %dma_start3A_81 = arith.constant 0 : i32
        %dma_start3A_82 = tpu.memref_slice %arg4[%multiple_of3A_59, %dma_start3A_81] : memref<32768x128xi32, #tpu.memory_space<hbm>> -> memref<128x128xi32, #tpu.memory_space<hbm>>
        tpu.enqueue_dma source(%arg6 : memref<128x128xi32, #tpu.memory_space<vmem>>) target(%dma_start3A_82 : memref<128x128xi32, #tpu.memory_space<hbm>>) target_semaphore(%run_scoped3A : memref<!tpu.dma_semaphore, #tpu.memory_space<semaphore_mem>>)
        %dma_wait3A_83 = arith.constant 0 : i32
        %dma_wait3A_84 = tpu.memref_slice %arg4[%multiple_of3A_59, %dma_wait3A_83] : memref<32768x128xi32, #tpu.memory_space<hbm>> -> memref<128x128xi32, #tpu.memory_space<hbm>>
        %dma_wait3A_85 = arith.constant 0 : i32
        %dma_wait3A_86 = tpu.memref_slice %arg4[%multiple_of3A_59, %dma_wait3A_85] : memref<32768x128xi32, #tpu.memory_space<hbm>> -> memref<128x128xi32, #tpu.memory_space<hbm>>
        tpu.wait_dma2 semaphore(%run_scoped3A : memref<!tpu.dma_semaphore, #tpu.memory_space<semaphore_mem>>) src(%arg6 : memref<128x128xi32, #tpu.memory_space<vmem>>) dst(%dma_wait3A_86 : memref<128x128xi32, #tpu.memory_space<hbm>>)
        tpu.yield
      }) : () -> ()
      %add3A_60 = arith.constant 2 : i32
      %add3A_61 = arith.addi %mul3A_40, %add3A_60 : i32
      %lt3A = arith.constant 8 : i32
      %lt3A_62 = arith.cmpi slt, %add3A_61, %lt3A : i32
      %convert_element_type3A = arith.extui %lt3A_62 : i1 to i32
      %cond3A = arith.constant 0 : i32
      %cond3A_63 = arith.cmpi ne, %convert_element_type3A, %cond3A : i32
      scf.if %cond3A_63 {
        %add3A_79 = arith.constant 2 : i32
        %add3A_80 = arith.addi %mul3A_40, %add3A_79 : i32
        %mul3A_81 = arith.constant 128 : i32
        %mul3A_82 = arith.muli %add3A_80, %mul3A_81 : i32
        %multiple_of3A_83 = tpu.assume_multiple %mul3A_82, 128 : i32
        %dma_start3A_84 = tpu.memref_slice %arg5[%multiple_of3A_83] : memref<1024xi32, #tpu.memory_space<vmem>> -> memref<128xi32, #tpu.memory_space<vmem>>
        %dma_start3A_85 = arith.constant 0 : i32
        %dma_start3A_86 = arith.constant 0 : i32
        %dma_start3A_87 = tpu.memref_slice %arg3[%dma_start3A_85, %dma_start3A_86] : memref<16384x128xi32, #tpu.memory_space<hbm>> -> memref<16384x128xi32, #tpu.memory_space<hbm>>
        tpu.enqueue_indirect_dma source(%dma_start3A_87 : memref<16384x128xi32, #tpu.memory_space<hbm>>) target(%arg6 : memref<128x128xi32, #tpu.memory_space<vmem>>) offsets(%dma_start3A_84 : memref<128xi32, #tpu.memory_space<vmem>>) semaphore(%arg8 : memref<!tpu.dma_semaphore, #tpu.memory_space<semaphore_mem>>)
      } else {
      }
      %add3A_64 = arith.constant 1 : i32
      %add3A_65 = arith.addi %mul3A_40, %add3A_64 : i32
      %mul3A_66 = arith.constant 128 : i32
      %mul3A_67 = arith.muli %add3A_65, %mul3A_66 : i32
      %multiple_of3A_68 = tpu.assume_multiple %mul3A_67, 128 : i32
      %dma_wait3A_69 = tpu.memref_slice %arg5[%multiple_of3A_68] : memref<1024xi32, #tpu.memory_space<vmem>> -> memref<128xi32, #tpu.memory_space<vmem>>
      %dma_wait3A_70 = arith.constant 0 : i32
      %dma_wait3A_71 = arith.constant 0 : i32
      %dma_wait3A_72 = tpu.memref_slice %arg3[%dma_wait3A_70, %dma_wait3A_71] : memref<16384x128xi32, #tpu.memory_space<hbm>> -> memref<16384x128xi32, #tpu.memory_space<hbm>>
      tpu.wait_indirect_dma semaphore(%arg9 : memref<!tpu.dma_semaphore, #tpu.memory_space<semaphore_mem>>) src(%dma_wait3A_72 : memref<16384x128xi32, #tpu.memory_space<hbm>>) dst(%arg7 : memref<128x128xi32, #tpu.memory_space<vmem>>)
      %add3A_73 = arith.constant 1 : i32
      %add3A_74 = arith.addi %mul3A_40, %add3A_73 : i32
      %mul3A_75 = arith.constant 128 : i32
      %mul3A_76 = arith.muli %add3A_74, %mul3A_75 : i32
      %add3A_77 = arith.addi %mul3A_2, %mul3A_76 : i32
      %multiple_of3A_78 = tpu.assume_multiple %add3A_77, 128 : i32
      "tpu.region"() ({
        %run_scoped3A = tpu.sem_alloc : memref<!tpu.dma_semaphore, #tpu.memory_space<semaphore_mem>>
        %dma_start3A_79 = arith.constant 0 : i32
        %dma_start3A_80 = tpu.memref_slice %arg4[%multiple_of3A_78, %dma_start3A_79] : memref<32768x128xi32, #tpu.memory_space<hbm>> -> memref<128x128xi32, #tpu.memory_space<hbm>>
        %dma_start3A_81 = arith.constant 0 : i32
        %dma_start3A_82 = tpu.memref_slice %arg4[%multiple_of3A_78, %dma_start3A_81] : memref<32768x128xi32, #tpu.memory_space<hbm>> -> memref<128x128xi32, #tpu.memory_space<hbm>>
        tpu.enqueue_dma source(%arg7 : memref<128x128xi32, #tpu.memory_space<vmem>>) target(%dma_start3A_82 : memref<128x128xi32, #tpu.memory_space<hbm>>) target_semaphore(%run_scoped3A : memref<!tpu.dma_semaphore, #tpu.memory_space<semaphore_mem>>)
        %dma_wait3A_83 = arith.constant 0 : i32
        %dma_wait3A_84 = tpu.memref_slice %arg4[%multiple_of3A_78, %dma_wait3A_83] : memref<32768x128xi32, #tpu.memory_space<hbm>> -> memref<128x128xi32, #tpu.memory_space<hbm>>
        %dma_wait3A_85 = arith.constant 0 : i32
        %dma_wait3A_86 = tpu.memref_slice %arg4[%multiple_of3A_78, %dma_wait3A_85] : memref<32768x128xi32, #tpu.memory_space<hbm>> -> memref<128x128xi32, #tpu.memory_space<hbm>>
        tpu.wait_dma2 semaphore(%run_scoped3A : memref<!tpu.dma_semaphore, #tpu.memory_space<semaphore_mem>>) src(%arg7 : memref<128x128xi32, #tpu.memory_space<vmem>>) dst(%dma_wait3A_86 : memref<128x128xi32, #tpu.memory_space<hbm>>)
        tpu.yield
      }) : () -> ()
    }
    %scan3A_37 = arith.constant 4 : i32
    return
  }
}

#map = affine_map<(d0, d1) -> (0)>
#map1 = affine_map<(d0, d1) -> (0, 0)>
module attributes {stable_mosaic.version = 14 : i64} {
  func.func @gather_kernel(%arg0: i32, %arg1: i32, %arg2: memref<32768xi32, #tpu.memory_space<hbm>>, %arg3: memref<16384x128xi32, #tpu.memory_space<hbm>>, %arg4: memref<32768x128xi32, #tpu.memory_space<hbm>>, %arg5: memref<1024xi32, #tpu.memory_space<vmem>>, %arg6: memref<128x128xi32, #tpu.memory_space<vmem>>, %arg7: memref<128x128xi32, #tpu.memory_space<vmem>>, %arg8: memref<!tpu.dma_semaphore, #tpu.memory_space<semaphore_mem>>, %arg9: memref<!tpu.dma_semaphore, #tpu.memory_space<semaphore_mem>>) attributes {dimension_semantics = [#tpu.dimension_semantics<core_parallel>, #tpu.dimension_semantics<subcore_parallel>], iteration_bounds = array<i64: 2, 16>, scalar_prefetch = 0 : i64, scratch_operands = 5 : i64, tpu.core_type = #tpu.core_type<sc_vector_subcore>, window_params = [{transform_indices = #map}, {transform_indices = #map1}, {transform_indices = #map1}]} {
    %mul3A = arith.constant 2 : i32
    %mul3A_0 = arith.muli %arg1, %mul3A : i32
    %add3A = arith.addi %mul3A_0, %arg0 : i32
    %mul3A_1 = arith.constant 1024 : i32
    %mul3A_2 = arith.muli %add3A, %mul3A_1 : i32
    "tpu.region"() ({
      %run_scoped3A = tpu.sem_alloc : memref<!tpu.dma_semaphore, #tpu.memory_space<semaphore_mem>>
      %dma_start3A_38 = tpu.memref_slice %arg2[%mul3A_2] : memref<32768xi32, #tpu.memory_space<hbm>> -> memref<1024xi32, #tpu.memory_space<hbm>>
      %dma_start3A_39 = tpu.memref_slice %arg2[%mul3A_2] : memref<32768xi32, #tpu.memory_space<hbm>> -> memref<1024xi32, #tpu.memory_space<hbm>>
      tpu.enqueue_dma source(%dma_start3A_39 : memref<1024xi32, #tpu.memory_space<hbm>>) target(%arg5 : memref<1024xi32, #tpu.memory_space<vmem>>) target_semaphore(%run_scoped3A : memref<!tpu.dma_semaphore, #tpu.memory_space<semaphore_mem>>)
      %dma_wait3A = tpu.memref_slice %arg2[%mul3A_2] : memref<32768xi32, #tpu.memory_space<hbm>> -> memref<1024xi32, #tpu.memory_space<hbm>>
      %dma_wait3A_40 = tpu.memref_slice %arg2[%mul3A_2] : memref<32768xi32, #tpu.memory_space<hbm>> -> memref<1024xi32, #tpu.memory_space<hbm>>
      tpu.wait_dma2 semaphore(%run_scoped3A : memref<!tpu.dma_semaphore, #tpu.memory_space<semaphore_mem>>) src(%dma_wait3A_40 : memref<1024xi32, #tpu.memory_space<hbm>>) dst(%arg5 : memref<1024xi32, #tpu.memory_space<vmem>>)
      tpu.yield
    }) : () -> ()
    %add3A_3 = arith.constant 0 : i32
    %add3A_4 = arith.addi %add3A_3, %mul3A_2 : i32
    %jit3A = arith.constant 16384 : i32
    %div3A = arith.divsi %add3A_4, %jit3A : i32
    %sign3A = arith.constant 0 : i32
    %sign3A_5 = arith.cmpi sgt, %add3A_4, %sign3A : i32
    %sign3A_6 = arith.extui %sign3A_5 : i1 to i32
    %sign3A_7 = arith.constant 0 : i32
    %sign3A_8 = arith.cmpi slt, %add3A_4, %sign3A_7 : i32
    %sign3A_9 = arith.extui %sign3A_8 : i1 to i32
    %sign3A_10 = arith.subi %sign3A_6, %sign3A_9 : i32
    %sign3A_11 = arith.constant 0 : i32
    %sign3A_12 = arith.cmpi sgt, %jit3A, %sign3A_11 : i32
    %sign3A_13 = arith.extui %sign3A_12 : i1 to i32
    %sign3A_14 = arith.constant 0 : i32
    %sign3A_15 = arith.cmpi slt, %jit3A, %sign3A_14 : i32
    %sign3A_16 = arith.extui %sign3A_15 : i1 to i32
    %sign3A_17 = arith.subi %sign3A_13, %sign3A_16 : i32
    %ne3A = arith.cmpi ne, %sign3A_10, %sign3A_17 : i32
    %rem3A = arith.remsi %add3A_4, %jit3A : i32
    %ne3A_18 = arith.constant 0 : i32
    %ne3A_19 = arith.cmpi ne, %rem3A, %ne3A_18 : i32
    %and3A = arith.andi %ne3A, %ne3A_19 : i1
    %sub3A = arith.constant 1 : i32
    %sub3A_20 = arith.subi %div3A, %sub3A : i32
    %select_n3A = arith.select %and3A, %sub3A_20, %div3A : i32
    %mul3A_21 = arith.constant 8192 : i32
    %mul3A_22 = arith.muli %select_n3A, %mul3A_21 : i32
    %scan3A = arith.constant 0 : i32
    %scan3A_23 = arith.constant 0 : i32
    %scan3A_24 = arith.constant 64 : i32
    %scan3A_25 = arith.addi %scan3A_23, %scan3A_24 : i32
    %scan3A_26 = arith.constant 1 : i32
    scf.for %scan3A_38 = %scan3A_23 to %scan3A_25 step %scan3A_26  : i32 {
      %mul3A_39 = arith.constant 16 : i32
      %mul3A_40 = arith.muli %scan3A_38, %mul3A_39 : i32
      %multiple_of3A_41 = tpu.assume_multiple %mul3A_40, 16 : i32
      %get3A = arith.index_cast %multiple_of3A_41 : i32 to index
      %get3A_42 = tpu.vector_load %arg5[%get3A] {strides = array<i32>} : memref<1024xi32, #tpu.memory_space<vmem>>, vector<16xi32>,
      %get3A_43 = vector.shape_cast %get3A_42 : vector<16xi32> to vector<16xi32>
      %add3A_44 = vector.broadcast %mul3A_22 : i32 to vector<16xi32>
      %add3A_45 = arith.addi %get3A_43, %add3A_44 : vector<16xi32>
      %swap3A = arith.index_cast %multiple_of3A_41 : i32 to index
      %swap3A_46 = tpu.vector_load %arg5[%swap3A] {strides = array<i32>} : memref<1024xi32, #tpu.memory_space<vmem>>, vector<16xi32>,
      %swap3A_47 = vector.shape_cast %swap3A_46 : vector<16xi32> to vector<16xi32>
      %swap3A_48 = vector.shape_cast %add3A_45 : vector<16xi32> to vector<16xi32>
      tpu.vector_store %arg5[%swap3A], %swap3A_48 {strides = array<i32>} : memref<1024xi32, #tpu.memory_space<vmem>>, vector<16xi32>,
    }
    %scan3A_27 = arith.constant 64 : i32
    %multiple_of3A = arith.constant 0 : i32
    %multiple_of3A_28 = tpu.assume_multiple %multiple_of3A, 128 : i32
    %dma_start3A = tpu.memref_slice %arg5[%multiple_of3A_28] : memref<1024xi32, #tpu.memory_space<vmem>> -> memref<128xi32, #tpu.memory_space<vmem>>
    %dma_start3A_29 = arith.constant 0 : i32
    %dma_start3A_30 = arith.constant 0 : i32
    %dma_start3A_31 = tpu.memref_slice %arg3[%dma_start3A_29, %dma_start3A_30] : memref<16384x128xi32, #tpu.memory_space<hbm>> -> memref<16384x128xi32, #tpu.memory_space<hbm>>
    tpu.enqueue_indirect_dma source(%dma_start3A_31 : memref<16384x128xi32, #tpu.memory_space<hbm>>) target(%arg6 : memref<128x128xi32, #tpu.memory_space<vmem>>) offsets(%dma_start3A : memref<128xi32, #tpu.memory_space<vmem>>) semaphore(%arg8 : memref<!tpu.dma_semaphore, #tpu.memory_space<semaphore_mem>>)
    %scan3A_32 = arith.constant 0 : i32
    %scan3A_33 = arith.constant 0 : i32
    %scan3A_34 = arith.constant 4 : i32
    %scan3A_35 = arith.addi %scan3A_33, %scan3A_34 : i32
    %scan3A_36 = arith.constant 1 : i32
    scf.for %scan3A_38 = %scan3A_33 to %scan3A_35 step %scan3A_36  : i32 {
      %mul3A_39 = arith.constant 2 : i32
      %mul3A_40 = arith.muli %scan3A_38, %mul3A_39 : i32
      %add3A_41 = arith.constant 1 : i32
      %add3A_42 = arith.addi %mul3A_40, %add3A_41 : i32
      %mul3A_43 = arith.constant 128 : i32
      %mul3A_44 = arith.muli %add3A_42, %mul3A_43 : i32
      %multiple_of3A_45 = tpu.assume_multiple %mul3A_44, 128 : i32
      %dma_start3A_46 = tpu.memref_slice %arg5[%multiple_of3A_45] : memref<1024xi32, #tpu.memory_space<vmem>> -> memref<128xi32, #tpu.memory_space<vmem>>
      %dma_start3A_47 = arith.constant 0 : i32
      %dma_start3A_48 = arith.constant 0 : i32
      %dma_start3A_49 = tpu.memref_slice %arg3[%dma_start3A_47, %dma_start3A_48] : memref<16384x128xi32, #tpu.memory_space<hbm>> -> memref<16384x128xi32, #tpu.memory_space<hbm>>
      tpu.enqueue_indirect_dma source(%dma_start3A_49 : memref<16384x128xi32, #tpu.memory_space<hbm>>) target(%arg7 : memref<128x128xi32, #tpu.memory_space<vmem>>) offsets(%dma_start3A_46 : memref<128xi32, #tpu.memory_space<vmem>>) semaphore(%arg9 : memref<!tpu.dma_semaphore, #tpu.memory_space<semaphore_mem>>)
      %mul3A_50 = arith.constant 128 : i32
      %mul3A_51 = arith.muli %mul3A_40, %mul3A_50 : i32
      %multiple_of3A_52 = tpu.assume_multiple %mul3A_51, 128 : i32
      %dma_wait3A = tpu.memref_slice %arg5[%multiple_of3A_52] : memref<1024xi32, #tpu.memory_space<vmem>> -> memref<128xi32, #tpu.memory_space<vmem>>
      %dma_wait3A_53 = arith.constant 0 : i32
      %dma_wait3A_54 = arith.constant 0 : i32
      %dma_wait3A_55 = tpu.memref_slice %arg3[%dma_wait3A_53, %dma_wait3A_54] : memref<16384x128xi32, #tpu.memory_space<hbm>> -> memref<16384x128xi32, #tpu.memory_space<hbm>>
      tpu.wait_indirect_dma semaphore(%arg8 : memref<!tpu.dma_semaphore, #tpu.memory_space<semaphore_mem>>) src(%dma_wait3A_55 : memref<16384x128xi32, #tpu.memory_space<hbm>>) dst(%arg6 : memref<128x128xi32, #tpu.memory_space<vmem>>)
      %mul3A_56 = arith.constant 128 : i32
      %mul3A_57 = arith.muli %mul3A_40, %mul3A_56 : i32
      %add3A_58 = arith.addi %mul3A_2, %mul3A_57 : i32
      %multiple_of3A_59 = tpu.assume_multiple %add3A_58, 128 : i32
      "tpu.region"() ({
        %run_scoped3A = tpu.sem_alloc : memref<!tpu.dma_semaphore, #tpu.memory_space<semaphore_mem>>
        %dma_start3A_79 = arith.constant 0 : i32
        %dma_start3A_80 = tpu.memref_slice %arg4[%multiple_of3A_59, %dma_start3A_79] : memref<32768x128xi32, #tpu.memory_space<hbm>> -> memref<128x128xi32, #tpu.memory_space<hbm>>
        %dma_start3A_81 = arith.constant 0 : i32
        %dma_start3A_82 = tpu.memref_slice %arg4[%multiple_of3A_59, %dma_start3A_81] : memref<32768x128xi32, #tpu.memory_space<hbm>> -> memref<128x128xi32, #tpu.memory_space<hbm>>
        tpu.enqueue_dma source(%arg6 : memref<128x128xi32, #tpu.memory_space<vmem>>) target(%dma_start3A_82 : memref<128x128xi32, #tpu.memory_space<hbm>>) target_semaphore(%run_scoped3A : memref<!tpu.dma_semaphore, #tpu.memory_space<semaphore_mem>>)
        %dma_wait3A_83 = arith.constant 0 : i32
        %dma_wait3A_84 = tpu.memref_slice %arg4[%multiple_of3A_59, %dma_wait3A_83] : memref<32768x128xi32, #tpu.memory_space<hbm>> -> memref<128x128xi32, #tpu.memory_space<hbm>>
        %dma_wait3A_85 = arith.constant 0 : i32
        %dma_wait3A_86 = tpu.memref_slice %arg4[%multiple_of3A_59, %dma_wait3A_85] : memref<32768x128xi32, #tpu.memory_space<hbm>> -> memref<128x128xi32, #tpu.memory_space<hbm>>
        tpu.wait_dma2 semaphore(%run_scoped3A : memref<!tpu.dma_semaphore, #tpu.memory_space<semaphore_mem>>) src(%arg6 : memref<128x128xi32, #tpu.memory_space<vmem>>) dst(%dma_wait3A_86 : memref<128x128xi32, #tpu.memory_space<hbm>>)
        tpu.yield
      }) : () -> ()
      %add3A_60 = arith.constant 2 : i32
      %add3A_61 = arith.addi %mul3A_40, %add3A_60 : i32
      %lt3A = arith.constant 8 : i32
      %lt3A_62 = arith.cmpi slt, %add3A_61, %lt3A : i32
      %convert_element_type3A = arith.extui %lt3A_62 : i1 to i32
      %cond3A = arith.constant 0 : i32
      %cond3A_63 = arith.cmpi ne, %convert_element_type3A, %cond3A : i32
      scf.if %cond3A_63 {
        %add3A_79 = arith.constant 2 : i32
        %add3A_80 = arith.addi %mul3A_40, %add3A_79 : i32
        %mul3A_81 = arith.constant 128 : i32
        %mul3A_82 = arith.muli %add3A_80, %mul3A_81 : i32
        %multiple_of3A_83 = tpu.assume_multiple %mul3A_82, 128 : i32
        %dma_start3A_84 = tpu.memref_slice %arg5[%multiple_of3A_83] : memref<1024xi32, #tpu.memory_space<vmem>> -> memref<128xi32, #tpu.memory_space<vmem>>
        %dma_start3A_85 = arith.constant 0 : i32
        %dma_start3A_86 = arith.constant 0 : i32
        %dma_start3A_87 = tpu.memref_slice %arg3[%dma_start3A_85, %dma_start3A_86] : memref<16384x128xi32, #tpu.memory_space<hbm>> -> memref<16384x128xi32, #tpu.memory_space<hbm>>
        tpu.enqueue_indirect_dma source(%dma_start3A_87 : memref<16384x128xi32, #tpu.memory_space<hbm>>) target(%arg6 : memref<128x128xi32, #tpu.memory_space<vmem>>) offsets(%dma_start3A_84 : memref<128xi32, #tpu.memory_space<vmem>>) semaphore(%arg8 : memref<!tpu.dma_semaphore, #tpu.memory_space<semaphore_mem>>)
      } else {
      }
      %add3A_64 = arith.constant 1 : i32
      %add3A_65 = arith.addi %mul3A_40, %add3A_64 : i32
      %mul3A_66 = arith.constant 128 : i32
      %mul3A_67 = arith.muli %add3A_65, %mul3A_66 : i32
      %multiple_of3A_68 = tpu.assume_multiple %mul3A_67, 128 : i32
      %dma_wait3A_69 = tpu.memref_slice %arg5[%multiple_of3A_68] : memref<1024xi32, #tpu.memory_space<vmem>> -> memref<128xi32, #tpu.memory_space<vmem>>
      %dma_wait3A_70 = arith.constant 0 : i32
      %dma_wait3A_71 = arith.constant 0 : i32
      %dma_wait3A_72 = tpu.memref_slice %arg3[%dma_wait3A_70, %dma_wait3A_71] : memref<16384x128xi32, #tpu.memory_space<hbm>> -> memref<16384x128xi32, #tpu.memory_space<hbm>>
      tpu.wait_indirect_dma semaphore(%arg9 : memref<!tpu.dma_semaphore, #tpu.memory_space<semaphore_mem>>) src(%dma_wait3A_72 : memref<16384x128xi32, #tpu.memory_space<hbm>>) dst(%arg7 : memref<128x128xi32, #tpu.memory_space<vmem>>)
      %add3A_73 = arith.constant 1 : i32
      %add3A_74 = arith.addi %mul3A_40, %add3A_73 : i32
      %mul3A_75 = arith.constant 128 : i32
      %mul3A_76 = arith.muli %add3A_74, %mul3A_75 : i32
      %add3A_77 = arith.addi %mul3A_2, %mul3A_76 : i32
      %multiple_of3A_78 = tpu.assume_multiple %add3A_77, 128 : i32
      "tpu.region"() ({
        %run_scoped3A = tpu.sem_alloc : memref<!tpu.dma_semaphore, #tpu.memory_space<semaphore_mem>>
        %dma_start3A_79 = arith.constant 0 : i32
        %dma_start3A_80 = tpu.memref_slice %arg4[%multiple_of3A_78, %dma_start3A_79] : memref<32768x128xi32, #tpu.memory_space<hbm>> -> memref<128x128xi32, #tpu.memory_space<hbm>>
        %dma_start3A_81 = arith.constant 0 : i32
        %dma_start3A_82 = tpu.memref_slice %arg4[%multiple_of3A_78, %dma_start3A_81] : memref<32768x128xi32, #tpu.memory_space<hbm>> -> memref<128x128xi32, #tpu.memory_space<hbm>>
        tpu.enqueue_dma source(%arg7 : memref<128x128xi32, #tpu.memory_space<vmem>>) target(%dma_start3A_82 : memref<128x128xi32, #tpu.memory_space<hbm>>) target_semaphore(%run_scoped3A : memref<!tpu.dma_semaphore, #tpu.memory_space<semaphore_mem>>)
        %dma_wait3A_83 = arith.constant 0 : i32
        %dma_wait3A_84 = tpu.memref_slice %arg4[%multiple_of3A_78, %dma_wait3A_83] : memref<32768x128xi32, #tpu.memory_space<hbm>> -> memref<128x128xi32, #tpu.memory_space<hbm>>
        %dma_wait3A_85 = arith.constant 0 : i32
        %dma_wait3A_86 = tpu.memref_slice %arg4[%multiple_of3A_78, %dma_wait3A_85] : memref<32768x128xi32, #tpu.memory_space<hbm>> -> memref<128x128xi32, #tpu.memory_space<hbm>>
        tpu.wait_dma2 semaphore(%run_scoped3A : memref<!tpu.dma_semaphore, #tpu.memory_space<semaphore_mem>>) src(%arg7 : memref<128x128xi32, #tpu.memory_space<vmem>>) dst(%dma_wait3A_86 : memref<128x128xi32, #tpu.memory_space<hbm>>)
        tpu.yield
      }) : () -> ()
    }
    %scan3A_37 = arith.constant 4 : i32
    return
  }
}

#map = affine_map<(d0, d1) -> (0)>
#map1 = affine_map<(d0, d1) -> (0, 0)>
module attributes {stable_mosaic.version = 14 : i64} {
  func.func @gather_kernel(%arg0: i32, %arg1: i32, %arg2: memref<32768xi32, #tpu.memory_space<hbm>>, %arg3: memref<16384x128xi32, #tpu.memory_space<hbm>>, %arg4: memref<32768x128xi32, #tpu.memory_space<hbm>>, %arg5: memref<1024xi32, #tpu.memory_space<vmem>>, %arg6: memref<128x128xi32, #tpu.memory_space<vmem>>, %arg7: memref<128x128xi32, #tpu.memory_space<vmem>>, %arg8: memref<!tpu.dma_semaphore, #tpu.memory_space<semaphore_mem>>, %arg9: memref<!tpu.dma_semaphore, #tpu.memory_space<semaphore_mem>>) attributes {dimension_semantics = [#tpu.dimension_semantics<core_parallel>, #tpu.dimension_semantics<subcore_parallel>], iteration_bounds = array<i64: 2, 16>, scalar_prefetch = 0 : i64, scratch_operands = 5 : i64, tpu.core_type = #tpu.core_type<sc_vector_subcore>, window_params = [{transform_indices = #map}, {transform_indices = #map1}, {transform_indices = #map1}]} {
    %mul3A = arith.constant 2 : i32
    %mul3A_0 = arith.muli %arg1, %mul3A : i32
    %add3A = arith.addi %mul3A_0, %arg0 : i32
    %mul3A_1 = arith.constant 1024 : i32
    %mul3A_2 = arith.muli %add3A, %mul3A_1 : i32
    "tpu.region"() ({
      %run_scoped3A = tpu.sem_alloc : memref<!tpu.dma_semaphore, #tpu.memory_space<semaphore_mem>>
      %dma_start3A_38 = tpu.memref_slice %arg2[%mul3A_2] : memref<32768xi32, #tpu.memory_space<hbm>> -> memref<1024xi32, #tpu.memory_space<hbm>>
      %dma_start3A_39 = tpu.memref_slice %arg2[%mul3A_2] : memref<32768xi32, #tpu.memory_space<hbm>> -> memref<1024xi32, #tpu.memory_space<hbm>>
      tpu.enqueue_dma source(%dma_start3A_39 : memref<1024xi32, #tpu.memory_space<hbm>>) target(%arg5 : memref<1024xi32, #tpu.memory_space<vmem>>) target_semaphore(%run_scoped3A : memref<!tpu.dma_semaphore, #tpu.memory_space<semaphore_mem>>)
      %dma_wait3A = tpu.memref_slice %arg2[%mul3A_2] : memref<32768xi32, #tpu.memory_space<hbm>> -> memref<1024xi32, #tpu.memory_space<hbm>>
      %dma_wait3A_40 = tpu.memref_slice %arg2[%mul3A_2] : memref<32768xi32, #tpu.memory_space<hbm>> -> memref<1024xi32, #tpu.memory_space<hbm>>
      tpu.wait_dma2 semaphore(%run_scoped3A : memref<!tpu.dma_semaphore, #tpu.memory_space<semaphore_mem>>) src(%dma_wait3A_40 : memref<1024xi32, #tpu.memory_space<hbm>>) dst(%arg5 : memref<1024xi32, #tpu.memory_space<vmem>>)
      tpu.yield
    }) : () -> ()
    %add3A_3 = arith.constant 0 : i32
    %add3A_4 = arith.addi %add3A_3, %mul3A_2 : i32
    %jit3A = arith.constant 16384 : i32
    %div3A = arith.divsi %add3A_4, %jit3A : i32
    %sign3A = arith.constant 0 : i32
    %sign3A_5 = arith.cmpi sgt, %add3A_4, %sign3A : i32
    %sign3A_6 = arith.extui %sign3A_5 : i1 to i32
    %sign3A_7 = arith.constant 0 : i32
    %sign3A_8 = arith.cmpi slt, %add3A_4, %sign3A_7 : i32
    %sign3A_9 = arith.extui %sign3A_8 : i1 to i32
    %sign3A_10 = arith.subi %sign3A_6, %sign3A_9 : i32
    %sign3A_11 = arith.constant 0 : i32
    %sign3A_12 = arith.cmpi sgt, %jit3A, %sign3A_11 : i32
    %sign3A_13 = arith.extui %sign3A_12 : i1 to i32
    %sign3A_14 = arith.constant 0 : i32
    %sign3A_15 = arith.cmpi slt, %jit3A, %sign3A_14 : i32
    %sign3A_16 = arith.extui %sign3A_15 : i1 to i32
    %sign3A_17 = arith.subi %sign3A_13, %sign3A_16 : i32
    %ne3A = arith.cmpi ne, %sign3A_10, %sign3A_17 : i32
    %rem3A = arith.remsi %add3A_4, %jit3A : i32
    %ne3A_18 = arith.constant 0 : i32
    %ne3A_19 = arith.cmpi ne, %rem3A, %ne3A_18 : i32
    %and3A = arith.andi %ne3A, %ne3A_19 : i1
    %sub3A = arith.constant 1 : i32
    %sub3A_20 = arith.subi %div3A, %sub3A : i32
    %select_n3A = arith.select %and3A, %sub3A_20, %div3A : i32
    %mul3A_21 = arith.constant 8192 : i32
    %mul3A_22 = arith.muli %select_n3A, %mul3A_21 : i32
    %scan3A = arith.constant 0 : i32
    %scan3A_23 = arith.constant 0 : i32
    %scan3A_24 = arith.constant 64 : i32
    %scan3A_25 = arith.addi %scan3A_23, %scan3A_24 : i32
    %scan3A_26 = arith.constant 1 : i32
    scf.for %scan3A_38 = %scan3A_23 to %scan3A_25 step %scan3A_26  : i32 {
      %mul3A_39 = arith.constant 16 : i32
      %mul3A_40 = arith.muli %scan3A_38, %mul3A_39 : i32
      %multiple_of3A_41 = tpu.assume_multiple %mul3A_40, 16 : i32
      %get3A = arith.index_cast %multiple_of3A_41 : i32 to index
      %get3A_42 = tpu.vector_load %arg5[%get3A] {strides = array<i32>} : memref<1024xi32, #tpu.memory_space<vmem>>, vector<16xi32>,
      %get3A_43 = vector.shape_cast %get3A_42 : vector<16xi32> to vector<16xi32>
      %add3A_44 = vector.broadcast %mul3A_22 : i32 to vector<16xi32>
      %add3A_45 = arith.addi %get3A_43, %add3A_44 : vector<16xi32>
      %swap3A = arith.index_cast %multiple_of3A_41 : i32 to index
      %swap3A_46 = tpu.vector_load %arg5[%swap3A] {strides = array<i32>} : memref<1024xi32, #tpu.memory_space<vmem>>, vector<16xi32>,
      %swap3A_47 = vector.shape_cast %swap3A_46 : vector<16xi32> to vector<16xi32>
      %swap3A_48 = vector.shape_cast %add3A_45 : vector<16xi32> to vector<16xi32>
      tpu.vector_store %arg5[%swap3A], %swap3A_48 {strides = array<i32>} : memref<1024xi32, #tpu.memory_space<vmem>>, vector<16xi32>,
    }
    %scan3A_27 = arith.constant 64 : i32
    %multiple_of3A = arith.constant 0 : i32
    %multiple_of3A_28 = tpu.assume_multiple %multiple_of3A, 128 : i32
    %dma_start3A = tpu.memref_slice %arg5[%multiple_of3A_28] : memref<1024xi32, #tpu.memory_space<vmem>> -> memref<128xi32, #tpu.memory_space<vmem>>
    %dma_start3A_29 = arith.constant 0 : i32
    %dma_start3A_30 = arith.constant 0 : i32
    %dma_start3A_31 = tpu.memref_slice %arg3[%dma_start3A_29, %dma_start3A_30] : memref<16384x128xi32, #tpu.memory_space<hbm>> -> memref<16384x128xi32, #tpu.memory_space<hbm>>
    tpu.enqueue_indirect_dma source(%dma_start3A_31 : memref<16384x128xi32, #tpu.memory_space<hbm>>) target(%arg6 : memref<128x128xi32, #tpu.memory_space<vmem>>) offsets(%dma_start3A : memref<128xi32, #tpu.memory_space<vmem>>) semaphore(%arg8 : memref<!tpu.dma_semaphore, #tpu.memory_space<semaphore_mem>>)
    %scan3A_32 = arith.constant 0 : i32
    %scan3A_33 = arith.constant 0 : i32
    %scan3A_34 = arith.constant 4 : i32
    %scan3A_35 = arith.addi %scan3A_33, %scan3A_34 : i32
    %scan3A_36 = arith.constant 1 : i32
    scf.for %scan3A_38 = %scan3A_33 to %scan3A_35 step %scan3A_36  : i32 {
      %mul3A_39 = arith.constant 2 : i32
      %mul3A_40 = arith.muli %scan3A_38, %mul3A_39 : i32
      %add3A_41 = arith.constant 1 : i32
      %add3A_42 = arith.addi %mul3A_40, %add3A_41 : i32
      %mul3A_43 = arith.constant 128 : i32
      %mul3A_44 = arith.muli %add3A_42, %mul3A_43 : i32
      %multiple_of3A_45 = tpu.assume_multiple %mul3A_44, 128 : i32
      %dma_start3A_46 = tpu.memref_slice %arg5[%multiple_of3A_45] : memref<1024xi32, #tpu.memory_space<vmem>> -> memref<128xi32, #tpu.memory_space<vmem>>
      %dma_start3A_47 = arith.constant 0 : i32
      %dma_start3A_48 = arith.constant 0 : i32
      %dma_start3A_49 = tpu.memref_slice %arg3[%dma_start3A_47, %dma_start3A_48] : memref<16384x128xi32, #tpu.memory_space<hbm>> -> memref<16384x128xi32, #tpu.memory_space<hbm>>
      tpu.enqueue_indirect_dma source(%dma_start3A_49 : memref<16384x128xi32, #tpu.memory_space<hbm>>) target(%arg7 : memref<128x128xi32, #tpu.memory_space<vmem>>) offsets(%dma_start3A_46 : memref<128xi32, #tpu.memory_space<vmem>>) semaphore(%arg9 : memref<!tpu.dma_semaphore, #tpu.memory_space<semaphore_mem>>)
      %mul3A_50 = arith.constant 128 : i32
      %mul3A_51 = arith.muli %mul3A_40, %mul3A_50 : i32
      %multiple_of3A_52 = tpu.assume_multiple %mul3A_51, 128 : i32
      %dma_wait3A = tpu.memref_slice %arg5[%multiple_of3A_52] : memref<1024xi32, #tpu.memory_space<vmem>> -> memref<128xi32, #tpu.memory_space<vmem>>
      %dma_wait3A_53 = arith.constant 0 : i32
      %dma_wait3A_54 = arith.constant 0 : i32
      %dma_wait3A_55 = tpu.memref_slice %arg3[%dma_wait3A_53, %dma_wait3A_54] : memref<16384x128xi32, #tpu.memory_space<hbm>> -> memref<16384x128xi32, #tpu.memory_space<hbm>>
      tpu.wait_indirect_dma semaphore(%arg8 : memref<!tpu.dma_semaphore, #tpu.memory_space<semaphore_mem>>) src(%dma_wait3A_55 : memref<16384x128xi32, #tpu.memory_space<hbm>>) dst(%arg6 : memref<128x128xi32, #tpu.memory_space<vmem>>)
      %mul3A_56 = arith.constant 128 : i32
      %mul3A_57 = arith.muli %mul3A_40, %mul3A_56 : i32
      %add3A_58 = arith.addi %mul3A_2, %mul3A_57 : i32
      %multiple_of3A_59 = tpu.assume_multiple %add3A_58, 128 : i32
      "tpu.region"() ({
        %run_scoped3A = tpu.sem_alloc : memref<!tpu.dma_semaphore, #tpu.memory_space<semaphore_mem>>
        %dma_start3A_79 = arith.constant 0 : i32
        %dma_start3A_80 = tpu.memref_slice %arg4[%multiple_of3A_59, %dma_start3A_79] : memref<32768x128xi32, #tpu.memory_space<hbm>> -> memref<128x128xi32, #tpu.memory_space<hbm>>
        %dma_start3A_81 = arith.constant 0 : i32
        %dma_start3A_82 = tpu.memref_slice %arg4[%multiple_of3A_59, %dma_start3A_81] : memref<32768x128xi32, #tpu.memory_space<hbm>> -> memref<128x128xi32, #tpu.memory_space<hbm>>
        tpu.enqueue_dma source(%arg6 : memref<128x128xi32, #tpu.memory_space<vmem>>) target(%dma_start3A_82 : memref<128x128xi32, #tpu.memory_space<hbm>>) target_semaphore(%run_scoped3A : memref<!tpu.dma_semaphore, #tpu.memory_space<semaphore_mem>>)
        %dma_wait3A_83 = arith.constant 0 : i32
        %dma_wait3A_84 = tpu.memref_slice %arg4[%multiple_of3A_59, %dma_wait3A_83] : memref<32768x128xi32, #tpu.memory_space<hbm>> -> memref<128x128xi32, #tpu.memory_space<hbm>>
        %dma_wait3A_85 = arith.constant 0 : i32
        %dma_wait3A_86 = tpu.memref_slice %arg4[%multiple_of3A_59, %dma_wait3A_85] : memref<32768x128xi32, #tpu.memory_space<hbm>> -> memref<128x128xi32, #tpu.memory_space<hbm>>
        tpu.wait_dma2 semaphore(%run_scoped3A : memref<!tpu.dma_semaphore, #tpu.memory_space<semaphore_mem>>) src(%arg6 : memref<128x128xi32, #tpu.memory_space<vmem>>) dst(%dma_wait3A_86 : memref<128x128xi32, #tpu.memory_space<hbm>>)
        tpu.yield
      }) : () -> ()
      %add3A_60 = arith.constant 2 : i32
      %add3A_61 = arith.addi %mul3A_40, %add3A_60 : i32
      %lt3A = arith.constant 8 : i32
      %lt3A_62 = arith.cmpi slt, %add3A_61, %lt3A : i32
      %convert_element_type3A = arith.extui %lt3A_62 : i1 to i32
      %cond3A = arith.constant 0 : i32
      %cond3A_63 = arith.cmpi ne, %convert_element_type3A, %cond3A : i32
      scf.if %cond3A_63 {
        %add3A_79 = arith.constant 2 : i32
        %add3A_80 = arith.addi %mul3A_40, %add3A_79 : i32
        %mul3A_81 = arith.constant 128 : i32
        %mul3A_82 = arith.muli %add3A_80, %mul3A_81 : i32
        %multiple_of3A_83 = tpu.assume_multiple %mul3A_82, 128 : i32
        %dma_start3A_84 = tpu.memref_slice %arg5[%multiple_of3A_83] : memref<1024xi32, #tpu.memory_space<vmem>> -> memref<128xi32, #tpu.memory_space<vmem>>
        %dma_start3A_85 = arith.constant 0 : i32
        %dma_start3A_86 = arith.constant 0 : i32
        %dma_start3A_87 = tpu.memref_slice %arg3[%dma_start3A_85, %dma_start3A_86] : memref<16384x128xi32, #tpu.memory_space<hbm>> -> memref<16384x128xi32, #tpu.memory_space<hbm>>
        tpu.enqueue_indirect_dma source(%dma_start3A_87 : memref<16384x128xi32, #tpu.memory_space<hbm>>) target(%arg6 : memref<128x128xi32, #tpu.memory_space<vmem>>) offsets(%dma_start3A_84 : memref<128xi32, #tpu.memory_space<vmem>>) semaphore(%arg8 : memref<!tpu.dma_semaphore, #tpu.memory_space<semaphore_mem>>)
      } else {
      }
      %add3A_64 = arith.constant 1 : i32
      %add3A_65 = arith.addi %mul3A_40, %add3A_64 : i32
      %mul3A_66 = arith.constant 128 : i32
      %mul3A_67 = arith.muli %add3A_65, %mul3A_66 : i32
      %multiple_of3A_68 = tpu.assume_multiple %mul3A_67, 128 : i32
      %dma_wait3A_69 = tpu.memref_slice %arg5[%multiple_of3A_68] : memref<1024xi32, #tpu.memory_space<vmem>> -> memref<128xi32, #tpu.memory_space<vmem>>
      %dma_wait3A_70 = arith.constant 0 : i32
      %dma_wait3A_71 = arith.constant 0 : i32
      %dma_wait3A_72 = tpu.memref_slice %arg3[%dma_wait3A_70, %dma_wait3A_71] : memref<16384x128xi32, #tpu.memory_space<hbm>> -> memref<16384x128xi32, #tpu.memory_space<hbm>>
      tpu.wait_indirect_dma semaphore(%arg9 : memref<!tpu.dma_semaphore, #tpu.memory_space<semaphore_mem>>) src(%dma_wait3A_72 : memref<16384x128xi32, #tpu.memory_space<hbm>>) dst(%arg7 : memref<128x128xi32, #tpu.memory_space<vmem>>)
      %add3A_73 = arith.constant 1 : i32
      %add3A_74 = arith.addi %mul3A_40, %add3A_73 : i32
      %mul3A_75 = arith.constant 128 : i32
      %mul3A_76 = arith.muli %add3A_74, %mul3A_75 : i32
      %add3A_77 = arith.addi %mul3A_2, %mul3A_76 : i32
      %multiple_of3A_78 = tpu.assume_multiple %add3A_77, 128 : i32
      "tpu.region"() ({
        %run_scoped3A = tpu.sem_alloc : memref<!tpu.dma_semaphore, #tpu.memory_space<semaphore_mem>>
        %dma_start3A_79 = arith.constant 0 : i32
        %dma_start3A_80 = tpu.memref_slice %arg4[%multiple_of3A_78, %dma_start3A_79] : memref<32768x128xi32, #tpu.memory_space<hbm>> -> memref<128x128xi32, #tpu.memory_space<hbm>>
        %dma_start3A_81 = arith.constant 0 : i32
        %dma_start3A_82 = tpu.memref_slice %arg4[%multiple_of3A_78, %dma_start3A_81] : memref<32768x128xi32, #tpu.memory_space<hbm>> -> memref<128x128xi32, #tpu.memory_space<hbm>>
        tpu.enqueue_dma source(%arg7 : memref<128x128xi32, #tpu.memory_space<vmem>>) target(%dma_start3A_82 : memref<128x128xi32, #tpu.memory_space<hbm>>) target_semaphore(%run_scoped3A : memref<!tpu.dma_semaphore, #tpu.memory_space<semaphore_mem>>)
        %dma_wait3A_83 = arith.constant 0 : i32
        %dma_wait3A_84 = tpu.memref_slice %arg4[%multiple_of3A_78, %dma_wait3A_83] : memref<32768x128xi32, #tpu.memory_space<hbm>> -> memref<128x128xi32, #tpu.memory_space<hbm>>
        %dma_wait3A_85 = arith.constant 0 : i32
        %dma_wait3A_86 = tpu.memref_slice %arg4[%multiple_of3A_78, %dma_wait3A_85] : memref<32768x128xi32, #tpu.memory_space<hbm>> -> memref<128x128xi32, #tpu.memory_space<hbm>>
        tpu.wait_dma2 semaphore(%run_scoped3A : memref<!tpu.dma_semaphore, #tpu.memory_space<semaphore_mem>>) src(%arg7 : memref<128x128xi32, #tpu.memory_space<vmem>>) dst(%dma_wait3A_86 : memref<128x128xi32, #tpu.memory_space<hbm>>)
        tpu.yield
      }) : () -> ()
    }
    %scan3A_37 = arith.constant 4 : i32
    return
  }
}

module attributes {stable_mosaic.version = 14 : i64} {
  func.func @_attn_body(%arg0: i32, %arg1: memref<2x16x128xbf16, #tpu.memory_space<vmem>>, %arg2: memref<2x2048x128xi32, #tpu.memory_space<vmem>>, %arg3: memref<16x1xf32, #tpu.memory_space<vmem>>, %arg4: memref<2x16x128xf32, #tpu.memory_space<vmem>>) attributes {dimension_semantics = [#tpu.dimension_semantics<arbitrary>], iteration_bounds = array<i64: 8>, scalar_prefetch = 0 : i64, scratch_operands = 0 : i64, tpu.core_type = #tpu.core_type<tc>, window_params = [{transform_indices = @transform_0, window_bounds = array<i64: 2, 16, 128>}, {transform_indices = @transform_1, window_bounds = array<i64: 2, 2048, 128>}, {pipeline_mode = #tpu.pipeline_mode<synchronous>, transform_indices = @transform_2, window_bounds = array<i64: 16, 1>}, {transform_indices = @transform_3, window_bounds = array<i64: 2, 16, 128>}]} {
    %get3A = arith.constant 0 : index
    %get3A_0 = arith.constant 0 : index
    %get3A_1 = vector.load %arg3[%get3A, %get3A_0] : memref<16x1xf32, #tpu.memory_space<vmem>>, vector<16x1xf32>
    %get3A_2 = arith.constant 0 : index
    %get3A_3 = arith.constant 0 : index
    %get3A_4 = arith.constant 0 : index
    %get3A_5 = vector.load %arg1[%get3A_2, %get3A_3, %get3A_4] : memref<2x16x128xbf16, #tpu.memory_space<vmem>>, vector<1x16x128xbf16>
    %get3A_6 = vector.shape_cast %get3A_5 : vector<1x16x128xbf16> to vector<16x128xbf16>
    %get3A_7 = arith.constant 0 : index
    %get3A_8 = arith.constant 0 : index
    %get3A_9 = arith.constant 0 : index
    %get3A_10 = vector.load %arg2[%get3A_7, %get3A_8, %get3A_9] : memref<2x2048x128xi32, #tpu.memory_space<vmem>>, vector<1x2048x128xi32>
    %get3A_11 = vector.shape_cast %get3A_10 : vector<1x2048x128xi32> to vector<2048x128xi32>
    %shift_left3A = arith.constant 16 : i32
    %shift_left3A_12 = vector.broadcast %shift_left3A : i32 to vector<2048x128xi32>
    %shift_left3A_13 = arith.shli %get3A_11, %shift_left3A_12 : vector<2048x128xi32>
    %bitcast_convert_type3A = tpu.bitcast %shift_left3A_13 : vector<2048x128xi32> -> vector<2048x128xf32>
    %and3A = arith.constant -65536 : i32
    %and3A_14 = vector.broadcast %and3A : i32 to vector<2048x128xi32>
    %and3A_15 = arith.andi %get3A_11, %and3A_14 : vector<2048x128xi32>
    %bitcast_convert_type3A_16 = tpu.bitcast %and3A_15 : vector<2048x128xi32> -> vector<2048x128xf32>
    %convert_element_type3A = arith.truncf %bitcast_convert_type3A : vector<2048x128xf32> to vector<2048x128xbf16>
    %convert_element_type3A_17 = arith.truncf %bitcast_convert_type3A_16 : vector<2048x128xf32> to vector<2048x128xbf16>
    %dot_general3A = arith.constant dense<0.000000e+00> : vector<16x2048xf32>
    %dot_general3A_18 = tpu.matmul %get3A_6, %convert_element_type3A, %dot_general3A {dimension_numbers = #tpu.dot_dimension_numbers<[1], [1], [0], [0], [0, 0, 1, 0], [], []>, transpose_lhs_hint = false} : vector<16x128xbf16>, vector<2048x128xbf16>, vector<16x2048xf32> -> vector<16x2048xf32>
    %mul3A = arith.constant 0.0883883461 : f32
    %mul3A_19 = vector.broadcast %mul3A : f32 to vector<16x2048xf32>
    %mul3A_20 = arith.mulf %dot_general3A_18, %mul3A_19 : vector<16x2048xf32>
    %reduce_max3A = arith.constant dense<0xFF800000> : vector<16xf32>
    %reduce_max3A_21 = vector.multi_reduction <maximumf>, %mul3A_20, %reduce_max3A [1] : vector<16x2048xf32> to vector<16xf32>
    %broadcast_in_dim3A = vector.shape_cast %reduce_max3A_21 : vector<16xf32> to vector<16x1xf32>
    %max3A = arith.maximumf %broadcast_in_dim3A, %get3A_1 : vector<16x1xf32>
    %sub3A = vector.broadcast %max3A : vector<16x1xf32> to vector<16x2048xf32>
    %sub3A_22 = arith.subf %mul3A_20, %sub3A : vector<16x2048xf32>
    %exp3A = math.exp %sub3A_22 : vector<16x2048xf32>
    %reduce_sum3A = arith.constant dense<0.000000e+00> : vector<16xf32>
    %reduce_sum3A_23 = vector.multi_reduction <add>, %exp3A, %reduce_sum3A [1] : vector<16x2048xf32> to vector<16xf32>
    %broadcast_in_dim3A_24 = vector.shape_cast %reduce_sum3A_23 : vector<16xf32> to vector<16x1xf32>
    %sub3A_25 = arith.subf %get3A_1, %max3A : vector<16x1xf32>
    %exp3A_26 = math.exp %sub3A_25 : vector<16x1xf32>
    %add3A = arith.addf %broadcast_in_dim3A_24, %exp3A_26 : vector<16x1xf32>
    %div3A = arith.constant 1.000000e+00 : f32
    %div3A_27 = vector.broadcast %div3A : f32 to vector<16x1xf32>
    %div3A_28 = arith.divf %div3A_27, %add3A : vector<16x1xf32>
    %mul3A_29 = vector.broadcast %div3A_28 : vector<16x1xf32> to vector<16x2048xf32>
    %mul3A_30 = arith.mulf %exp3A, %mul3A_29 : vector<16x2048xf32>
    %convert_element_type3A_31 = arith.truncf %mul3A_30 : vector<16x2048xf32> to vector<16x2048xbf16>
    %dot_general3A_32 = arith.constant dense<0.000000e+00> : vector<16x128xf32>
    %dot_general3A_33 = tpu.matmul %convert_element_type3A_31, %convert_element_type3A_17, %dot_general3A_32 {dimension_numbers = #tpu.dot_dimension_numbers<[1], [0], [0], [1], [0, 0, 1, 1], [], []>, transpose_lhs_hint = false} : vector<16x2048xbf16>, vector<2048x128xbf16>, vector<16x128xf32> -> vector<16x128xf32>
    %swap3A = arith.constant 0 : index
    %swap3A_34 = arith.constant 0 : index
    %swap3A_35 = arith.constant 0 : index
    %swap3A_36 = vector.load %arg4[%swap3A, %swap3A_34, %swap3A_35] : memref<2x16x128xf32, #tpu.memory_space<vmem>>, vector<1x16x128xf32>
    %swap3A_37 = vector.shape_cast %swap3A_36 : vector<1x16x128xf32> to vector<16x128xf32>
    %swap3A_38 = vector.shape_cast %dot_general3A_33 : vector<16x128xf32> to vector<1x16x128xf32>
    tpu.vector_store %arg4[%swap3A, %swap3A_34, %swap3A_35], %swap3A_38 {strides = array<i32>} : memref<2x16x128xf32, #tpu.memory_space<vmem>>, vector<1x16x128xf32>,
    %get3A_39 = arith.constant 1 : index
    %get3A_40 = arith.constant 0 : index
    %get3A_41 = arith.constant 0 : index
    %get3A_42 = vector.load %arg1[%get3A_39, %get3A_40, %get3A_41] : memref<2x16x128xbf16, #tpu.memory_space<vmem>>, vector<1x16x128xbf16>
    %get3A_43 = vector.shape_cast %get3A_42 : vector<1x16x128xbf16> to vector<16x128xbf16>
    %get3A_44 = arith.constant 1 : index
    %get3A_45 = arith.constant 0 : index
    %get3A_46 = arith.constant 0 : index
    %get3A_47 = vector.load %arg2[%get3A_44, %get3A_45, %get3A_46] : memref<2x2048x128xi32, #tpu.memory_space<vmem>>, vector<1x2048x128xi32>
    %get3A_48 = vector.shape_cast %get3A_47 : vector<1x2048x128xi32> to vector<2048x128xi32>
    %shift_left3A_49 = arith.constant 16 : i32
    %shift_left3A_50 = vector.broadcast %shift_left3A_49 : i32 to vector<2048x128xi32>
    %shift_left3A_51 = arith.shli %get3A_48, %shift_left3A_50 : vector<2048x128xi32>
    %bitcast_convert_type3A_52 = tpu.bitcast %shift_left3A_51 : vector<2048x128xi32> -> vector<2048x128xf32>
    %and3A_53 = arith.constant -65536 : i32
    %and3A_54 = vector.broadcast %and3A_53 : i32 to vector<2048x128xi32>
    %and3A_55 = arith.andi %get3A_48, %and3A_54 : vector<2048x128xi32>
    %bitcast_convert_type3A_56 = tpu.bitcast %and3A_55 : vector<2048x128xi32> -> vector<2048x128xf32>
    %convert_element_type3A_57 = arith.truncf %bitcast_convert_type3A_52 : vector<2048x128xf32> to vector<2048x128xbf16>
    %convert_element_type3A_58 = arith.truncf %bitcast_convert_type3A_56 : vector<2048x128xf32> to vector<2048x128xbf16>
    %dot_general3A_59 = arith.constant dense<0.000000e+00> : vector<16x2048xf32>
    %dot_general3A_60 = tpu.matmul %get3A_43, %convert_element_type3A_57, %dot_general3A_59 {dimension_numbers = #tpu.dot_dimension_numbers<[1], [1], [0], [0], [0, 0, 1, 0], [], []>, transpose_lhs_hint = false} : vector<16x128xbf16>, vector<2048x128xbf16>, vector<16x2048xf32> -> vector<16x2048xf32>
    %mul3A_61 = arith.constant 0.0883883461 : f32
    %mul3A_62 = vector.broadcast %mul3A_61 : f32 to vector<16x2048xf32>
    %mul3A_63 = arith.mulf %dot_general3A_60, %mul3A_62 : vector<16x2048xf32>
    %reduce_max3A_64 = arith.constant dense<0xFF800000> : vector<16xf32>
    %reduce_max3A_65 = vector.multi_reduction <maximumf>, %mul3A_63, %reduce_max3A_64 [1] : vector<16x2048xf32> to vector<16xf32>
    %broadcast_in_dim3A_66 = vector.shape_cast %reduce_max3A_65 : vector<16xf32> to vector<16x1xf32>
    %max3A_67 = arith.maximumf %broadcast_in_dim3A_66, %get3A_1 : vector<16x1xf32>
    %sub3A_68 = vector.broadcast %max3A_67 : vector<16x1xf32> to vector<16x2048xf32>
    %sub3A_69 = arith.subf %mul3A_63, %sub3A_68 : vector<16x2048xf32>
    %exp3A_70 = math.exp %sub3A_69 : vector<16x2048xf32>
    %reduce_sum3A_71 = arith.constant dense<0.000000e+00> : vector<16xf32>
    %reduce_sum3A_72 = vector.multi_reduction <add>, %exp3A_70, %reduce_sum3A_71 [1] : vector<16x2048xf32> to vector<16xf32>
    %broadcast_in_dim3A_73 = vector.shape_cast %reduce_sum3A_72 : vector<16xf32> to vector<16x1xf32>
    %sub3A_74 = arith.subf %get3A_1, %max3A_67 : vector<16x1xf32>
    %exp3A_75 = math.exp %sub3A_74 : vector<16x1xf32>
    %add3A_76 = arith.addf %broadcast_in_dim3A_73, %exp3A_75 : vector<16x1xf32>
    %div3A_77 = arith.constant 1.000000e+00 : f32
    %div3A_78 = vector.broadcast %div3A_77 : f32 to vector<16x1xf32>
    %div3A_79 = arith.divf %div3A_78, %add3A_76 : vector<16x1xf32>
    %mul3A_80 = vector.broadcast %div3A_79 : vector<16x1xf32> to vector<16x2048xf32>
    %mul3A_81 = arith.mulf %exp3A_70, %mul3A_80 : vector<16x2048xf32>
    %convert_element_type3A_82 = arith.truncf %mul3A_81 : vector<16x2048xf32> to vector<16x2048xbf16>
    %dot_general3A_83 = arith.constant dense<0.000000e+00> : vector<16x128xf32>
    %dot_general3A_84 = tpu.matmul %convert_element_type3A_82, %convert_element_type3A_58, %dot_general3A_83 {dimension_numbers = #tpu.dot_dimension_numbers<[1], [0], [0], [1], [0, 0, 1, 1], [], []>, transpose_lhs_hint = false} : vector<16x2048xbf16>, vector<2048x128xbf16>, vector<16x128xf32> -> vector<16x128xf32>
    %swap3A_85 = arith.constant 1 : index
    %swap3A_86 = arith.constant 0 : index
    %swap3A_87 = arith.constant 0 : index
    %swap3A_88 = vector.load %arg4[%swap3A_85, %swap3A_86, %swap3A_87] : memref<2x16x128xf32, #tpu.memory_space<vmem>>, vector<1x16x128xf32>
    %swap3A_89 = vector.shape_cast %swap3A_88 : vector<1x16x128xf32> to vector<16x128xf32>
    %swap3A_90 = vector.shape_cast %dot_general3A_84 : vector<16x128xf32> to vector<1x16x128xf32>
    tpu.vector_store %arg4[%swap3A_85, %swap3A_86, %swap3A_87], %swap3A_90 {strides = array<i32>} : memref<2x16x128xf32, #tpu.memory_space<vmem>>, vector<1x16x128xf32>,
    return
  }
  func.func @transform_0(%arg0: i32) -> (i32, i32, i32) {
    %c0_i32 = arith.constant 0 : i32
    %c0_i32_0 = arith.constant 0 : i32
    %c0_i32_1 = arith.constant 0 : i32
    return %arg0, %c0_i32, %c0_i32_0 : i32, i32, i32
  }
  func.func @transform_1(%arg0: i32) -> (i32, i32, i32) {
    %c0_i32 = arith.constant 0 : i32
    %c0_i32_0 = arith.constant 0 : i32
    %c0_i32_1 = arith.constant 0 : i32
    return %arg0, %c0_i32, %c0_i32_0 : i32, i32, i32
  }
  func.func @transform_2(%arg0: i32) -> (i32, i32) {
    %c0_i32 = arith.constant 0 : i32
    %c0_i32_0 = arith.constant 0 : i32
    %c0_i32_1 = arith.constant 0 : i32
    return %c0_i32, %c0_i32_0 : i32, i32
  }
  func.func @transform_3(%arg0: i32) -> (i32, i32, i32) {
    %c0_i32 = arith.constant 0 : i32
    %c0_i32_0 = arith.constant 0 : i32
    %c0_i32_1 = arith.constant 0 : i32
    return %arg0, %c0_i32, %c0_i32_0 : i32, i32, i32
  }
}

module attributes {stable_mosaic.version = 14 : i64} {
  func.func @_attn_body_f32(%arg0: i32, %arg1: memref<2x16x128xbf16, #tpu.memory_space<vmem>>, %arg2: memref<2x2048x256xi32, #tpu.memory_space<vmem>>, %arg3: memref<16x1xf32, #tpu.memory_space<vmem>>, %arg4: memref<2x16x128xf32, #tpu.memory_space<vmem>>) attributes {dimension_semantics = [#tpu.dimension_semantics<arbitrary>], iteration_bounds = array<i64: 8>, scalar_prefetch = 0 : i64, scratch_operands = 0 : i64, tpu.core_type = #tpu.core_type<tc>, window_params = [{transform_indices = @transform_0, window_bounds = array<i64: 2, 16, 128>}, {transform_indices = @transform_1, window_bounds = array<i64: 2, 2048, 256>}, {pipeline_mode = #tpu.pipeline_mode<synchronous>, transform_indices = @transform_2, window_bounds = array<i64: 16, 1>}, {transform_indices = @transform_3, window_bounds = array<i64: 2, 16, 128>}]} {
    %get3A = arith.constant 0 : index
    %get3A_0 = arith.constant 0 : index
    %get3A_1 = vector.load %arg3[%get3A, %get3A_0] : memref<16x1xf32, #tpu.memory_space<vmem>>, vector<16x1xf32>
    %get3A_2 = arith.constant 0 : index
    %get3A_3 = arith.constant 0 : index
    %get3A_4 = arith.constant 0 : index
    %get3A_5 = vector.load %arg1[%get3A_2, %get3A_3, %get3A_4] : memref<2x16x128xbf16, #tpu.memory_space<vmem>>, vector<1x16x128xbf16>
    %get3A_6 = vector.shape_cast %get3A_5 : vector<1x16x128xbf16> to vector<16x128xbf16>
    %get3A_7 = arith.constant 0 : index
    %get3A_8 = arith.constant 0 : index
    %get3A_9 = arith.constant 0 : index
    %get3A_10 = vector.load %arg2[%get3A_7, %get3A_8, %get3A_9] : memref<2x2048x256xi32, #tpu.memory_space<vmem>>, vector<1x2048x256xi32>
    %get3A_11 = vector.shape_cast %get3A_10 : vector<1x2048x256xi32> to vector<2048x256xi32>
    %bitcast_convert_type3A = tpu.bitcast %get3A_11 : vector<2048x256xi32> -> vector<2048x256xf32>
    %slice3A = vector.extract_strided_slice %bitcast_convert_type3A {offsets = [0, 0], sizes = [2048, 128], strides = [1, 1]} : vector<2048x256xf32> to vector<2048x128xf32>
    %convert_element_type3A = arith.truncf %slice3A : vector<2048x128xf32> to vector<2048x128xbf16>
    %slice3A_12 = vector.extract_strided_slice %bitcast_convert_type3A {offsets = [0, 128], sizes = [2048, 128], strides = [1, 1]} : vector<2048x256xf32> to vector<2048x128xf32>
    %convert_element_type3A_13 = arith.truncf %slice3A_12 : vector<2048x128xf32> to vector<2048x128xbf16>
    %dot_general3A = arith.constant dense<0.000000e+00> : vector<16x2048xf32>
    %dot_general3A_14 = tpu.matmul %get3A_6, %convert_element_type3A, %dot_general3A {dimension_numbers = #tpu.dot_dimension_numbers<[1], [1], [0], [0], [0, 0, 1, 0], [], []>, transpose_lhs_hint = false} : vector<16x128xbf16>, vector<2048x128xbf16>, vector<16x2048xf32> -> vector<16x2048xf32>
    %mul3A = arith.constant 0.0883883461 : f32
    %mul3A_15 = vector.broadcast %mul3A : f32 to vector<16x2048xf32>
    %mul3A_16 = arith.mulf %dot_general3A_14, %mul3A_15 : vector<16x2048xf32>
    %reduce_max3A = arith.constant dense<0xFF800000> : vector<16xf32>
    %reduce_max3A_17 = vector.multi_reduction <maximumf>, %mul3A_16, %reduce_max3A [1] : vector<16x2048xf32> to vector<16xf32>
    %broadcast_in_dim3A = vector.shape_cast %reduce_max3A_17 : vector<16xf32> to vector<16x1xf32>
    %max3A = arith.maximumf %broadcast_in_dim3A, %get3A_1 : vector<16x1xf32>
    %sub3A = vector.broadcast %max3A : vector<16x1xf32> to vector<16x2048xf32>
    %sub3A_18 = arith.subf %mul3A_16, %sub3A : vector<16x2048xf32>
    %exp3A = math.exp %sub3A_18 : vector<16x2048xf32>
    %reduce_sum3A = arith.constant dense<0.000000e+00> : vector<16xf32>
    %reduce_sum3A_19 = vector.multi_reduction <add>, %exp3A, %reduce_sum3A [1] : vector<16x2048xf32> to vector<16xf32>
    %broadcast_in_dim3A_20 = vector.shape_cast %reduce_sum3A_19 : vector<16xf32> to vector<16x1xf32>
    %sub3A_21 = arith.subf %get3A_1, %max3A : vector<16x1xf32>
    %exp3A_22 = math.exp %sub3A_21 : vector<16x1xf32>
    %add3A = arith.addf %broadcast_in_dim3A_20, %exp3A_22 : vector<16x1xf32>
    %div3A = arith.constant 1.000000e+00 : f32
    %div3A_23 = vector.broadcast %div3A : f32 to vector<16x1xf32>
    %div3A_24 = arith.divf %div3A_23, %add3A : vector<16x1xf32>
    %mul3A_25 = vector.broadcast %div3A_24 : vector<16x1xf32> to vector<16x2048xf32>
    %mul3A_26 = arith.mulf %exp3A, %mul3A_25 : vector<16x2048xf32>
    %convert_element_type3A_27 = arith.truncf %mul3A_26 : vector<16x2048xf32> to vector<16x2048xbf16>
    %dot_general3A_28 = arith.constant dense<0.000000e+00> : vector<16x128xf32>
    %dot_general3A_29 = tpu.matmul %convert_element_type3A_27, %convert_element_type3A_13, %dot_general3A_28 {dimension_numbers = #tpu.dot_dimension_numbers<[1], [0], [0], [1], [0, 0, 1, 1], [], []>, transpose_lhs_hint = false} : vector<16x2048xbf16>, vector<2048x128xbf16>, vector<16x128xf32> -> vector<16x128xf32>
    %swap3A = arith.constant 0 : index
    %swap3A_30 = arith.constant 0 : index
    %swap3A_31 = arith.constant 0 : index
    %swap3A_32 = vector.load %arg4[%swap3A, %swap3A_30, %swap3A_31] : memref<2x16x128xf32, #tpu.memory_space<vmem>>, vector<1x16x128xf32>
    %swap3A_33 = vector.shape_cast %swap3A_32 : vector<1x16x128xf32> to vector<16x128xf32>
    %swap3A_34 = vector.shape_cast %dot_general3A_29 : vector<16x128xf32> to vector<1x16x128xf32>
    tpu.vector_store %arg4[%swap3A, %swap3A_30, %swap3A_31], %swap3A_34 {strides = array<i32>} : memref<2x16x128xf32, #tpu.memory_space<vmem>>, vector<1x16x128xf32>,
    %get3A_35 = arith.constant 1 : index
    %get3A_36 = arith.constant 0 : index
    %get3A_37 = arith.constant 0 : index
    %get3A_38 = vector.load %arg1[%get3A_35, %get3A_36, %get3A_37] : memref<2x16x128xbf16, #tpu.memory_space<vmem>>, vector<1x16x128xbf16>
    %get3A_39 = vector.shape_cast %get3A_38 : vector<1x16x128xbf16> to vector<16x128xbf16>
    %get3A_40 = arith.constant 1 : index
    %get3A_41 = arith.constant 0 : index
    %get3A_42 = arith.constant 0 : index
    %get3A_43 = vector.load %arg2[%get3A_40, %get3A_41, %get3A_42] : memref<2x2048x256xi32, #tpu.memory_space<vmem>>, vector<1x2048x256xi32>
    %get3A_44 = vector.shape_cast %get3A_43 : vector<1x2048x256xi32> to vector<2048x256xi32>
    %bitcast_convert_type3A_45 = tpu.bitcast %get3A_44 : vector<2048x256xi32> -> vector<2048x256xf32>
    %slice3A_46 = vector.extract_strided_slice %bitcast_convert_type3A_45 {offsets = [0, 0], sizes = [2048, 128], strides = [1, 1]} : vector<2048x256xf32> to vector<2048x128xf32>
    %convert_element_type3A_47 = arith.truncf %slice3A_46 : vector<2048x128xf32> to vector<2048x128xbf16>
    %slice3A_48 = vector.extract_strided_slice %bitcast_convert_type3A_45 {offsets = [0, 128], sizes = [2048, 128], strides = [1, 1]} : vector<2048x256xf32> to vector<2048x128xf32>
    %convert_element_type3A_49 = arith.truncf %slice3A_48 : vector<2048x128xf32> to vector<2048x128xbf16>
    %dot_general3A_50 = arith.constant dense<0.000000e+00> : vector<16x2048xf32>
    %dot_general3A_51 = tpu.matmul %get3A_39, %convert_element_type3A_47, %dot_general3A_50 {dimension_numbers = #tpu.dot_dimension_numbers<[1], [1], [0], [0], [0, 0, 1, 0], [], []>, transpose_lhs_hint = false} : vector<16x128xbf16>, vector<2048x128xbf16>, vector<16x2048xf32> -> vector<16x2048xf32>
    %mul3A_52 = arith.constant 0.0883883461 : f32
    %mul3A_53 = vector.broadcast %mul3A_52 : f32 to vector<16x2048xf32>
    %mul3A_54 = arith.mulf %dot_general3A_51, %mul3A_53 : vector<16x2048xf32>
    %reduce_max3A_55 = arith.constant dense<0xFF800000> : vector<16xf32>
    %reduce_max3A_56 = vector.multi_reduction <maximumf>, %mul3A_54, %reduce_max3A_55 [1] : vector<16x2048xf32> to vector<16xf32>
    %broadcast_in_dim3A_57 = vector.shape_cast %reduce_max3A_56 : vector<16xf32> to vector<16x1xf32>
    %max3A_58 = arith.maximumf %broadcast_in_dim3A_57, %get3A_1 : vector<16x1xf32>
    %sub3A_59 = vector.broadcast %max3A_58 : vector<16x1xf32> to vector<16x2048xf32>
    %sub3A_60 = arith.subf %mul3A_54, %sub3A_59 : vector<16x2048xf32>
    %exp3A_61 = math.exp %sub3A_60 : vector<16x2048xf32>
    %reduce_sum3A_62 = arith.constant dense<0.000000e+00> : vector<16xf32>
    %reduce_sum3A_63 = vector.multi_reduction <add>, %exp3A_61, %reduce_sum3A_62 [1] : vector<16x2048xf32> to vector<16xf32>
    %broadcast_in_dim3A_64 = vector.shape_cast %reduce_sum3A_63 : vector<16xf32> to vector<16x1xf32>
    %sub3A_65 = arith.subf %get3A_1, %max3A_58 : vector<16x1xf32>
    %exp3A_66 = math.exp %sub3A_65 : vector<16x1xf32>
    %add3A_67 = arith.addf %broadcast_in_dim3A_64, %exp3A_66 : vector<16x1xf32>
    %div3A_68 = arith.constant 1.000000e+00 : f32
    %div3A_69 = vector.broadcast %div3A_68 : f32 to vector<16x1xf32>
    %div3A_70 = arith.divf %div3A_69, %add3A_67 : vector<16x1xf32>
    %mul3A_71 = vector.broadcast %div3A_70 : vector<16x1xf32> to vector<16x2048xf32>
    %mul3A_72 = arith.mulf %exp3A_61, %mul3A_71 : vector<16x2048xf32>
    %convert_element_type3A_73 = arith.truncf %mul3A_72 : vector<16x2048xf32> to vector<16x2048xbf16>
    %dot_general3A_74 = arith.constant dense<0.000000e+00> : vector<16x128xf32>
    %dot_general3A_75 = tpu.matmul %convert_element_type3A_73, %convert_element_type3A_49, %dot_general3A_74 {dimension_numbers = #tpu.dot_dimension_numbers<[1], [0], [0], [1], [0, 0, 1, 1], [], []>, transpose_lhs_hint = false} : vector<16x2048xbf16>, vector<2048x128xbf16>, vector<16x128xf32> -> vector<16x128xf32>
    %swap3A_76 = arith.constant 1 : index
    %swap3A_77 = arith.constant 0 : index
    %swap3A_78 = arith.constant 0 : index
    %swap3A_79 = vector.load %arg4[%swap3A_76, %swap3A_77, %swap3A_78] : memref<2x16x128xf32, #tpu.memory_space<vmem>>, vector<1x16x128xf32>
    %swap3A_80 = vector.shape_cast %swap3A_79 : vector<1x16x128xf32> to vector<16x128xf32>
    %swap3A_81 = vector.shape_cast %dot_general3A_75 : vector<16x128xf32> to vector<1x16x128xf32>
    tpu.vector_store %arg4[%swap3A_76, %swap3A_77, %swap3A_78], %swap3A_81 {strides = array<i32>} : memref<2x16x128xf32, #tpu.memory_space<vmem>>, vector<1x16x128xf32>,
    return
  }
  func.func @transform_0(%arg0: i32) -> (i32, i32, i32) {
    %c0_i32 = arith.constant 0 : i32
    %c0_i32_0 = arith.constant 0 : i32
    %c0_i32_1 = arith.constant 0 : i32
    return %arg0, %c0_i32, %c0_i32_0 : i32, i32, i32
  }
  func.func @transform_1(%arg0: i32) -> (i32, i32, i32) {
    %c0_i32 = arith.constant 0 : i32
    %c0_i32_0 = arith.constant 0 : i32
    %c0_i32_1 = arith.constant 0 : i32
    return %arg0, %c0_i32, %c0_i32_0 : i32, i32, i32
  }
  func.func @transform_2(%arg0: i32) -> (i32, i32) {
    %c0_i32 = arith.constant 0 : i32
    %c0_i32_0 = arith.constant 0 : i32
    %c0_i32_1 = arith.constant 0 : i32
    return %c0_i32, %c0_i32_0 : i32, i32
  }
  func.func @transform_3(%arg0: i32) -> (i32, i32, i32) {
    %c0_i32 = arith.constant 0 : i32
    %c0_i32_0 = arith.constant 0 : i32
    %c0_i32_1 = arith.constant 0 : i32
    return %arg0, %c0_i32, %c0_i32_0 : i32, i32, i32
  }
}

</mosaic_0001>

<sc_bundles>
// kernel: kernel.10.cloned.1.call-start
scs
__scs_entry_jumppad:
0x0: {  	(pc) =	sbr.rel $0x88, $3  }
0x1: {  	(tag) =	ssettag $0x0;
	lr =	simm.s32 $0x1  }
0x2: {  	[smem:$0x3F9D] =	sst lr;
	_ =	strace $0xD0000000  }
0x3: {  	_ = 	snop  }
0x4: {  	_ = 	snop  }
0x5: {  	_ = 	snop  }
0x6: {  	_ = 	snop  }
0x7: {  	_ = 	snop  }
__scs_overlays_trampoline_lowered:
0x8: {  	[smem:$0x3FAC] =	sst s0  }
0x9: {  	[smem:$0x3FAD] =	sst s1  }
0xa: {  	[smem:$0x3FAE] =	sst s2  }
0xb: {  	[smem:$0x3FAF] =	sst s3  }
0xc: {  	[smem:$0x3FB0] =	sst s4  }
0xd: {  	[smem:$0x3FB1] =	sst s5  }
0xe: {  	[smem:$0x3FB2] =	sst s6  }
0xf: {  	[smem:$0x3FB3] =	sst s7  }
0x10: {  	[smem:$0x3FB4] =	sst s8  }
0x11: {  	[smem:$0x3FB5] =	sst s9;
	s0 =	simm.s32 @!p0 $0x0  }
0x12: {  	s1 =	sld [smem:$0x3F9B];
	s0 =	simm.s32 @p0 $0x1  }
0x13: {  	[smem:$0x3FB6] =	sst s0;
	s0 =	simm.s32 @!p1 $0x0  }
0x14: {  	s2 =	sld [smem:$0x3F9A];
	s0 =	simm.s32 @p1 $0x1  }
0x15: {  	[smem:$0x3FB7] =	sst s0;
	s0 =	simm.s32 @!p2 $0x0  }
0x16: {  	s3 =	sld [smem:$0x3FDB];
	s0 =	simm.s32 @p2 $0x1  }
0x17: {  	s4 =	simm.s32 $0x1BF5;
	[smem:$0x3FB9] =	sst s0  }
0x18: {  	s0 =	sld [smem:$0x3F9C];
	_ =	swait.ge [sflag:s4], $0x0  }
0x19: {  	s7 =	sld [smem:$0x3F9D]  }
0x1a: {  	s8 =	sadd.s32 $0xFFFFE003, lr  }
0x1b: {  	s9 =	sadd.s32 $0xFFFFFEF7, lr;
	s5 =	simm.s32 $0xFFFFFFFF;
	p2 =	slt.u32 s8, $0xFFFFF086  }
0x1c: {  	p1 =	slt.u32 s9, $0xF7A;
	s5 =	simm.s32 @!p2 $0x0  }
0x1d: {  	s5 =	simm.s32 @p1 $0x1;
	p0 =	seq.s32 s7, s2  }
0x1e: {  	s7 =	smul.u32 @!p0 $0xF7A, s2;
	p2 =	seq.s32 @!p0 s5, $0x0  }
0x1f: {  	s9 =	smul.u32 $0xF7A, s1;
	s8 =	simm.s32 @!p0 $0x1BF5;
	p2 =	por !p2, p0  }
0x20: {  	[sflag:s8] =	ssyncset.s32 @!p0 $0xFFFFF086;
	s6 =	sadd.s32 @!p0 s3, s7;
	s7 =	simm.s32 @!p0 $0x108  }
0x21: {  	s3 =	sadd.s32 s3, s9;
	s6 =	sadd.s32 @!p0 $0x88, s6;
	s7 =	simm.s32 @p2 $0x1082  }
0x22: {  	[simem:s7], [sflag:s8] =	dma.local @!p0 [hbm:s6], $0xF7A  }
0x23: {  	s9 =	sor.u32 $0xD0000000, s2;
	s6 =	simm.s32 $0x108;
	_ =	swait.ge @!p0 [sflag:s8], $0x0  }
0x24: {  	s3 =	sadd.s32 $0x88, s3;
	s6 =	simm.s32 @!p1 $0x1082;
	[sflag:s4] =	ssyncset.s32 $0xFFFFF086  }
0x25: {  	[simem:s6], [sflag:s4] =	dma.local [hbm:s3], $0xF7A  }
0x26: {  	[smem:$0x3F9D] =	sst s1;
	(tag) =	ssettag s2;
	_ =	strace s9  }
0x27: {  	s1 =	sld [smem:$0x3FAD]  }
0x28: {  	s2 =	sld [smem:$0x3FAE]  }
0x29: {  	s4 =	sld [smem:$0x3FB0]  }
0x2a: {  	p0 =	seq.s32 s5, $0x0;
	s5 =	sld [smem:$0x3FB1]  }
0x2b: {  	s6 =	sld [smem:$0x3FB2]  }
0x2c: {  	s7 =	sld [smem:$0x3FB3]  }
0x2d: {  	s3 =	simm.s32 $0x108;
	s8 =	sld [smem:$0x3FB4]  }
0x2e: {  	s3 =	simm.s32 @!p0 $0x1082;
	s9 =	sld [smem:$0x3FB5]  }
0x2f: {  	lr =	sadd.s32 s0, s3;
	s0 =	sld [smem:$0x3FAC]  }
0x30: {  	s3 =	sld [smem:$0x3FAF]  }
0x31: {  	[smem:$0x3FB8] =	sst s10  }
0x32: {  	s10 =	sld [smem:$0x3FB6];
	_ =	sdelay $0x3  }
0x33: {  	p0 =	seq.s32 s10, $0x1;
	s10 =	sld [smem:$0x3FB8];
	_ =	sdelay $0x3  }
0x34: {  	[smem:$0x3FB8] =	sst s10  }
0x35: {  	s10 =	sld [smem:$0x3FB7];
	_ =	sdelay $0x3  }
0x36: {  	p1 =	seq.s32 s10, $0x1;
	s10 =	sld [smem:$0x3FB8];
	_ =	sdelay $0x3  }
0x37: {  	[smem:$0x3FB8] =	sst s10  }
0x38: {  	s10 =	sld [smem:$0x3FB9]  }
0x39: {  	_ = 	snop;
	(pc) =	sbr.ind lr, $3  }
0x3a: {  	_ = 	snop  }
0x3b: {  	_ = 	snop  }
0x3c: {  	p2 =	seq.s32 s10, $0x1;
	s10 =	sld [smem:$0x3FB8]  }
0x3d: {  	_ =	shalt  }
0x3e: {  	_ =	shalt  }
0x3f: {  	_ =	shalt  }
0x40: {  	_ =	shalt  }
0x41: {  	_ =	shalt  }
0x42: {  	_ =	shalt  }
0x43: {  	_ =	shalt  }
0x44: {  	_ =	shalt  }
0x45: {  	_ =	shalt  }
0x46: {  	_ =	shalt  }
0x47: {  	_ =	shalt  }
0x48: {  	_ =	shalt  }
0x49: {  	_ =	shalt  }
0x4a: {  	_ =	shalt  }
0x4b: {  	_ =	shalt  }
0x4c: {  	_ =	shalt  }
0x4d: {  	_ =	shalt  }
0x4e: {  	_ =	shalt  }
0x4f: {  	_ =	shalt  }
0x50: {  	_ =	shalt  }
0x51: {  	_ =	shalt  }
0x52: {  	_ =	shalt  }
0x53: {  	_ =	shalt  }
0x54: {  	_ =	shalt  }
0x55: {  	_ =	shalt  }
0x56: {  	_ =	shalt  }
0x57: {  	_ =	shalt  }
0x58: {  	_ =	shalt  }
0x59: {  	_ =	shalt  }
0x5a: {  	_ =	shalt  }
0x5b: {  	_ =	shalt  }
0x5c: {  	_ =	shalt  }
0x5d: {  	_ =	shalt  }
0x5e: {  	_ =	shalt  }
0x5f: {  	_ =	shalt  }
0x60: {  	_ =	shalt  }
0x61: {  	_ =	shalt  }
0x62: {  	_ =	shalt  }
0x63: {  	_ =	shalt  }
0x64: {  	_ =	shalt  }
0x65: {  	_ =	shalt  }
0x66: {  	_ =	shalt  }
0x67: {  	_ =	shalt  }
0x68: {  	_ =	shalt  }
0x69: {  	_ =	shalt  }
0x6a: {  	_ =	shalt  }
0x6b: {  	_ =	shalt  }
0x6c: {  	_ =	shalt  }
0x6d: {  	_ =	shalt  }
0x6e: {  	_ =	shalt  }
0x6f: {  	_ =	shalt  }
0x70: {  	_ =	shalt  }
0x71: {  	_ =	shalt  }
0x72: {  	_ =	shalt  }
0x73: {  	_ =	shalt  }
0x74: {  	_ =	shalt  }
0x75: {  	_ =	shalt  }
0x76: {  	_ =	shalt  }
0x77: {  	_ =	shalt  }
0x78: {  	_ =	shalt  }
0x79: {  	_ =	shalt  }
0x7a: {  	_ =	shalt  }
0x7b: {  	_ =	shalt  }
0x7c: {  	_ =	shalt  }
0x7d: {  	_ =	shalt  }
0x7e: {  	_ =	shalt  }
0x7f: {  	_ =	shalt  }
0x80: {  	_ =	shalt  }
0x81: {  	_ =	shalt  }
0x82: {  	_ =	shalt  }
0x83: {  	_ =	shalt  }
0x84: {  	_ =	shalt  }
0x85: {  	_ =	shalt  }
0x86: {  	_ =	shalt  }
0x87: {  	_ =	shalt  }
.Lfunc_end0:
.L_simem_size_0:
called_computation_lowered:
.L_overlay_start_0:
0x88: {  	s2 =	sld [smem:$0x3FD9]  }
0x89: {  	s3 =	sld [smem:$0x3FFE];
	_ =	sdelay $0x1  }
0x8a: {  	s1 =	srdreg.scid  }
0x8b: {  	s0 =	sand.u32 $0x1, s1  }
0x8c: {  	s17 =	sshll.u32 s0, $0xA;
	s2 =	sadd.s32 s3, s2  }
0x8d: {  	s2 =	sadd.s32 s2, s17  }
0x8e: {  	[smem:$0x3FC4] =	sst s2  }
0x8f: {  	_ = 	snop  }
0x90: {  	(tm) =	ssettm $0x1  }
0x91: {  	s18 =	sld [smem:$0x3FFB];
	_ =	sdelay $0x3  }
0x92: {  	_ =	strace s18  }
0x93: {  	s2 =	sld [smem:$0x3FFC];
	_ =	sdelay $0x3  }
0x94: {  	_ =	strace s2  }
0x95: {  	s2 =	sld [smem:$0x3FFD];
	_ =	sdelay $0x3  }
0x96: {  	_ =	strace s2  }
0x97: {  	_ =	strace $0x8FFFFFFF  }
0x98: {  	s19 =	sld [smem:$0x3FDB];
	_ =	sdelay $0x1  }
0x99: {  	s20 =	simm.s32 $_scs_section_size  }
0x9a: {  	s4 =	simm.s32 $_size__tile_overlayer_lowered;
	s5 =	simm.s32 $_tile_overlayer_lowered  }
0x9b: {  	s6 =	simm.s32 $0x1BFF;
	s21 =	sshll.u32 s5, $0x1;
	s3 =	sadd.s32 s20, s19  }
0x9c: {  	s22 =	simm.s32 $0x0;
	s4 =	sshll.u32 s4, $0x1;
	s5 =	sadd.s32 s21, s3  }
0x9d: {  	[timem:s22], [sflag:s6] =	dma.local [hbm:s5], s4  }
0x9e: {  	_ =	swait.ge [sflag:s6], s4  }
0x9f: {  	s4 =	ssub.s32 $0x0, s4;
	[sflag:s6] =	ssyncset.done $0x0  }
0xa0: {  	[sflag:s6] =	ssyncadd.s32 s4;
	_ =	sdelay $0x1  }
0xa1: {  	s23 =	simm.s32 $0x1B8B  }
0xa2: {  	_ =	swait.ge [sflag:s23], $0x1  }
0xa3: {  	[sflag:s23] =	ssyncset.done $0x0  }
0xa4: {  	[sflag:s23] =	ssyncadd.s32 $0xFFFFFFFF  }
0xa5: {  	s4 =	sld [smem:$0x0]  }
0xa6: {  	s5 =	sand.u32 $0xFFFFFFFE, s1  }
0xa7: {  	p0 =	sne.s32 s1, s5  }
0xa8: {  	s5 =	sshll.u32 @p0 s5, $0xE  }
0xa9: {  	s5 =	sadd.s32 @p0 $0x11B8D, s5;
	s6 =	sshll.u32 @p0 s4, $0x11  }
0xaa: {  	s5 =	sor.u32 @p0 s6, s5  }
0xab: {  	[sflag:s5] =	ssyncadd.remote.s32 @p0 $0x1;
	_ =	sdelay $0x1  }
0xac: {  	s5 =	simm.s32 @p0 $0x1B8D  }
0xad: {  	_ =	swait.eq @p0 [sflag:s5], $0x1  }
0xae: {  	[sflag:s5] =	ssyncadd.s32 @p0 $0xFFFFFFFF  }
0xaf: {  	s6 =	sshll.u32 @!p0 s1, $0xE  }
0xb0: {  	s6 =	sor.u32 @!p0 $0x4000, s6;
	s5 =	simm.s32 @!p0 $0x1B8D  }
0xb1: {  	s4 =	sshll.u32 @!p0 s4, $0x11;
	s6 =	sadd.s32 @!p0 $0x11B8D, s6;
	_ =	swait.eq @!p0 [sflag:s5], $0x1  }
0xb2: {  	s4 =	sor.u32 @!p0 s4, s6;
	[sflag:s5] =	ssyncadd.s32 @!p0 $0xFFFFFFFF  }
0xb3: {  	s25 =	simm.s32 $0x1B8E;
	s24 =	sld [smem:$0x3FFE];
	[sflag:s4] =	ssyncadd.remote.s32 @!p0 $0x1  }
0xb4: {  	s26 =	simm.s32 $execute0_lowered;
	[smem:$0x3FD2] =	sst s25  }
0xb5: {  	s5 =	sshll.u32 s26, $0x1;
	_ =	strace $0x8000004F;
	[dreg:$0x1] =	wrdreg $0xFFFFFFFF  }
0xb6: {  	s28 =	simm.s32 $_size_execute0_lowered;
	s3 =	sadd.s32 s3, s5;
	[dreg:$0x0] =	wrdreg $0x0  }
0xb7: {  	s5 =	sshll.u32 s28, $0x1;
	[dreg:$0x2] =	wrdreg s3  }
0xb8: {  	[dreg:$0x3] =	wrdreg s5  }
0xb9: {  	[dreg:$0x4] =	wrdreg $0xC0  }
0xba: {  	_ =	task [dreg:s22], $0x5FFFF  }
0xbb: {  	[dreg:$0x1] =	wrdreg $0xFFFFFFFF  }
0xbc: {  	[dreg:$0x0] =	wrdreg $0x60  }
0xbd: {  	[dreg:$0x2] =	wrdreg s24  }
0xbe: {  	[dreg:$0x3] =	wrdreg $0x9  }
0xbf: {  	_ =	task.clear_ibuf [dreg:s22], $0x4FFFF;
	_ =	strace $0x9000004F  }
0xc0: {  	s29 =	simm.s32 $0x9;
	_ =	strace $0x80000051  }
0xc1: {  	_ =	swait.ge [sflag:s29], $0x1  }
0xc2: {  	[sflag:s29] =	ssyncadd.s32 $0xFFFFFFFF  }
0xc3: {  	_ =	strace $0x90000051  }
0xc4: {  	_ =	sfence  }
0xc5: {  	s30 =	sld [smem:$0x0];
	_ =	sdelay $0x2  }
0xc6: {  	s31 =	sshll.u32 s1, $0xD;
	s1 =	sshrl.u32 s1, $0x2  }
0xc7: {  	s4 =	sand.u32 $0x4000, s31;
	s1 =	sadd.s32 s1, s30  }
0xc8: {  	s0 =	sor.u32 s4, s0;
	s1 =	sshll.u32 s1, $0x11  }
0xc9: {  	s0 =	sor.u32 s1, s0  }
0xca: {  	s0 =	sadd.s32 $0x8F2B, s0  }
0xcb: {  	[sflag:s0] =	ssyncadd.remote.s32 $0x1  }
0xcc: {  	_ =	sfence.sel $0xFFFF  }
0xcd: {  	[dreg:$0x0] =	wrdreg $0xFFFFFFFF;
	(pc) =	sbr.abs _section_cstart, $3  }
0xce: {  	[dreg:$0x1] =	wrdreg $0xFFFFFFFF  }
0xcf: {  	_ =	task.clear_ibuf [dreg:s22], $0x2FFFF;
	_ =	strace $0x9FFFFFFF  }
0xd0: {  	(tm) =	ssettm $0x7FFFFFFF  }
0xd1: {  	_ =	shalt  }
tec
execute0_lowered:
.L_overlay_start_1:
0x0: {  	(tag) =	ssettag $0x1  }
0x1: {  	s0 =	srdreg.scid;
	s8 =	stileid.u32  }
0x2: {  	s1 =	rddreg [dreg:$0x0];
	s2 =	simm.s32 $0x0;
	s20 =	simm.s32 $0x6400  }
0x3: {  	s21 =	simm.s32 $0x6C00;
	s22 =	simm.s32 $0x7400;
	s23 =	simm.s32 $0x7C00  }
0x4: {  	s28 =	simm.s32 $0x9C00;
	s29 =	simm.s32 $0xA400;
	s30 =	simm.s32 $0xAC00  }
0x5: {  	s31 =	simm.s32 $0xB400;
	s9 =	simm.s32 $0xDC00;
	s10 =	simm.s32 $0xE400  }
0x6: {  	s12 =	simm.s32 $0xF400;
	s13 =	simm.s32 $0xFC00;
	s14 =	simm.s32 $0x1  }
0x7: {  	s15 =	simm.s32 $0x2;
	s17 =	simm.s32 $0x0;
	s0 =	sand.u32 $0x1, s0  }
0x8: {  	s3 =	sshll.u32 s8, $0xB;
	[smem:$0x7FF] =	sst s2;
	s6 =	sshll.u32 s8, $0x10  }
0x9: {  	s25 =	sshll.u32 s8, $0xA;
	s8 =	simm.s32 $0x400;
	s4 =	sshll.u32 s0, $0xA  }
0xa: {  	_ =	strace $0x80000050;
	s5 =	ssub.s32 $0x2, s0;
	s0 =	sshll.u32 s0, $0xF  }
0xb: {  	s11 =	sand.u32 $0x2000, s25;
	s25 =	simm.s32 $0x8C00;
	s3 =	sor.u32 s4, s3  }
0xc: {  	s7 =	sshrl.u32 s5, $0x1;
	v0 =	vmov s11;
	s11 =	simm.s32 $0xEC00;
	s3 =	sshrl.u32 s3, $0x3  }
0xd: {  	s5 =	ssub.s32 s5, s7;
	s7 =	simm.s32 $0x3;
	s24 =	sadd.s32 s3, s1  }
.Ltmp0:
0xe: {  	s3 =	sadd.s32 $0x245200, s1;
	s1 =	sadd.s32 s6, s1;
	(pc) =	sbr.rel .LBB2_1-.Ltmp0, $4  }
0xf: {  	s26 =	smax.u32 s5, $0x1;
	s5 =	simm.s32 $0xD400;
	s4 =	sadd.s32 $0x244200, s24  }
0x10: {  	v3 =	vlaneseq.u32;
	s0 =	sadd.s32 s0, s1;
	[dreg:$0x3] =	wrdreg s26;
	s24 =	simm.s32 $0x8400  }
0x11: {  	vm0 =	vmmov $0xffff;
	v2 =	vshrl.u32 v3, $0x3;
	s26 =	simm.s32 $0x9400;
	s1 =	simm.s32 $0xBC00;
	[dreg:$0x2] =	wrdreg s4  }
0x12: {  	v1 =	vand.u32 $0x7, v3;
	v3 =	vor.u32 $0x8, v3;
	v2 =	vmul.u32 $0x8, v2;
	s6 =	sadd.s32 $0x2C5200, s0;
	s0 =	simm.s32 $0xC400;
	s4 =	simm.s32 $0xCC00  }
.LBB2_7:
0x13: {  	s17 =	rddreg [dreg:$0x4]  }
0x14: {  	s16 =	rddreg [dreg:$0x3];
	s17 =	sadd.s32 $0x1, s17  }
0x15: {  	p0 =	sne.s32 s17, s16  }
.Ltmp1:
0x16: {  	_ = 	snop;
	(pc) =	sbr.rel @!p0 .LBB2_8-.Ltmp1, $1  }
0x17: {  	_ =	sdelay $0x3  }
.LBB2_1:
0x18: {  	[dreg:$0x4] =	wrdreg s17  }
0x19: {  	s16 =	rddreg [dreg:$0x2]  }
0x1a: {  	[tilespmem:s2], [sflag:$0x3] =	stream.linear.gather [hbm4b:s16+s2], $0x400, $0x38;
	[tilespmem:$0x10400] =	vst v63  }
0x1b: {  	_ =	swait.ge [sflag:s7], $0x400  }
0x1c: {  	[sflag:s7] =	ssyncset.done $0x0  }
0x1d: {  	s17 =	simm.s32 $0x40;
	s16 =	simm.s32 $0x0;
	[sflag:s7] =	ssyncadd.s32 $0xFFFFFC00  }
.LBB2_2:
0x1e: {  	p0 =	sne.s32 s17, $0xFC0;
	v4 =	vld [tilespmem:s16+$0x0];
	_ =	sdelay $0x1  }
.Ltmp2:
0x1f: {  	(pc) =	sbr.rel @p0 .LBB2_2-.Ltmp2, $3  }
0x20: {  	_ =	sdelay $0x1  }
0x21: {  	v4 =	vadd.s32 v0, v4  }
0x22: {  	[tilespmem:s16+$0x0] =	vst v4;
	s16 =	sshra.s32 s17, $0x2;
	s17 =	sadd.s32 $0x40, s17  }
0x23: {  	v4 =	vld [tilespmem:s16+$0x0];
	_ =	sdelay $0x4  }
0x24: {  	v4 =	vadd.s32 v0, v4  }
0x25: {  	[tilespmem:s16+$0x0] =	vst v4  }
0x26: {  	v4 =	vld [tilespmem:$0x0];
	_ =	sdelay $0x4  }
0x27: {  	v5 =	vshll.u32 v4, $0x1  }
0x28: {  	v4 =	vand.u32 $0x7, v4;
	v5 =	vand.u32 $0xFFFFFFF0, v5  }
0x29: {  	v4 =	vor.u32 v4, v5  }
0x2a: {  	v5 =	vperm.xlane v4, v1;
	_ =	sdelay $0x1  }
0x2b: {  	v4 =	vperm.xlane v4, v3;
	v5 =	vadd.s32 v2, v5;
	_ =	sdelay $0x1  }
0x2c: {  	v4 =	vadd.s32 v2, v4;
	_ =	sdelay $0x1  }
0x2d: {  	s16 =	simm.s32 $0x0  }
0x2e: {  	[tilespmem:s8], [sflag:$0x1] =	stream.indirect_vreg.gather [hbm4b:s3+s16], $0x80, v5, vm0, $0xb8;
	[tilespmem:$0x10400] =	vst v63  }
0x2f: {  	s17 =	simm.s32 $0xC00  }
0x30: {  	[tilespmem:s17], [sflag:$0x1] =	stream.indirect_vreg.gather [hbm4b:s3+s16], $0x80, v4, vm0, $0xb8;
	[tilespmem:$0x10400] =	vst v63  }
0x31: {  	v4 =	vld [tilespmem:$0x10];
	_ =	sdelay $0x4  }
0x32: {  	v5 =	vshll.u32 v4, $0x1  }
0x33: {  	v4 =	vand.u32 $0x7, v4;
	v5 =	vand.u32 $0xFFFFFFF0, v5  }
0x34: {  	v4 =	vor.u32 v4, v5  }
0x35: {  	v5 =	vperm.xlane v4, v1;
	_ =	sdelay $0x1  }
0x36: {  	v4 =	vperm.xlane v4, v3;
	v5 =	vadd.s32 v2, v5;
	_ =	sdelay $0x1  }
0x37: {  	v4 =	vadd.s32 v2, v4;
	_ =	sdelay $0x1  }
0x38: {  	s18 =	simm.s32 $0x1400  }
0x39: {  	[tilespmem:s18], [sflag:$0x1] =	stream.indirect_vreg.gather [hbm4b:s3+s16], $0x80, v5, vm0, $0xb8;
	[tilespmem:$0x10400] =	vst v63  }
0x3a: {  	s19 =	simm.s32 $0x1C00  }
0x3b: {  	[tilespmem:s19], [sflag:$0x1] =	stream.indirect_vreg.gather [hbm4b:s3+s16], $0x80, v4, vm0, $0xb8;
	[tilespmem:$0x10400] =	vst v63  }
0x3c: {  	v4 =	vld [tilespmem:$0x20];
	_ =	sdelay $0x4  }
0x3d: {  	v5 =	vshll.u32 v4, $0x1  }
0x3e: {  	v4 =	vand.u32 $0x7, v4;
	v5 =	vand.u32 $0xFFFFFFF0, v5  }
0x3f: {  	v4 =	vor.u32 v4, v5  }
0x40: {  	v5 =	vperm.xlane v4, v1;
	_ =	sdelay $0x1  }
0x41: {  	v4 =	vperm.xlane v4, v3;
	v5 =	vadd.s32 v2, v5;
	_ =	sdelay $0x1  }
0x42: {  	v4 =	vadd.s32 v2, v4;
	_ =	sdelay $0x1  }
0x43: {  	s18 =	simm.s32 $0x2400  }
0x44: {  	[tilespmem:s18], [sflag:$0x1] =	stream.indirect_vreg.gather [hbm4b:s3+s16], $0x80, v5, vm0, $0xb8;
	[tilespmem:$0x10400] =	vst v63  }
0x45: {  	s19 =	simm.s32 $0x2C00  }
0x46: {  	[tilespmem:s19], [sflag:$0x1] =	stream.indirect_vreg.gather [hbm4b:s3+s16], $0x80, v4, vm0, $0xb8;
	[tilespmem:$0x10400] =	vst v63  }
0x47: {  	v4 =	vld [tilespmem:$0x30];
	_ =	sdelay $0x4  }
0x48: {  	v5 =	vshll.u32 v4, $0x1  }
0x49: {  	v4 =	vand.u32 $0x7, v4;
	v5 =	vand.u32 $0xFFFFFFF0, v5  }
0x4a: {  	v4 =	vor.u32 v4, v5  }
0x4b: {  	v5 =	vperm.xlane v4, v1;
	_ =	sdelay $0x1  }
0x4c: {  	v4 =	vperm.xlane v4, v3;
	v5 =	vadd.s32 v2, v5;
	_ =	sdelay $0x1  }
0x4d: {  	v4 =	vadd.s32 v2, v4;
	_ =	sdelay $0x1  }
0x4e: {  	s18 =	simm.s32 $0x3400  }
0x4f: {  	[tilespmem:s18], [sflag:$0x1] =	stream.indirect_vreg.gather [hbm4b:s3+s16], $0x80, v5, vm0, $0xb8;
	[tilespmem:$0x10400] =	vst v63  }
0x50: {  	s19 =	simm.s32 $0x3C00  }
0x51: {  	[tilespmem:s19], [sflag:$0x1] =	stream.indirect_vreg.gather [hbm4b:s3+s16], $0x80, v4, vm0, $0xb8;
	[tilespmem:$0x10400] =	vst v63  }
0x52: {  	v4 =	vld [tilespmem:$0x40];
	_ =	sdelay $0x4  }
0x53: {  	v5 =	vshll.u32 v4, $0x1  }
0x54: {  	v4 =	vand.u32 $0x7, v4;
	v5 =	vand.u32 $0xFFFFFFF0, v5  }
0x55: {  	v4 =	vor.u32 v4, v5  }
0x56: {  	v5 =	vperm.xlane v4, v1;
	_ =	sdelay $0x1  }
0x57: {  	v4 =	vperm.xlane v4, v3;
	v5 =	vadd.s32 v2, v5;
	_ =	sdelay $0x1  }
0x58: {  	v4 =	vadd.s32 v2, v4;
	_ =	sdelay $0x1  }
0x59: {  	s18 =	simm.s32 $0x4400  }
0x5a: {  	[tilespmem:s18], [sflag:$0x1] =	stream.indirect_vreg.gather [hbm4b:s3+s16], $0x80, v5, vm0, $0xb8;
	[tilespmem:$0x10400] =	vst v63  }
0x5b: {  	s19 =	simm.s32 $0x4C00  }
0x5c: {  	[tilespmem:s19], [sflag:$0x1] =	stream.indirect_vreg.gather [hbm4b:s3+s16], $0x80, v4, vm0, $0xb8;
	[tilespmem:$0x10400] =	vst v63  }
0x5d: {  	v4 =	vld [tilespmem:$0x50];
	_ =	sdelay $0x4  }
0x5e: {  	v5 =	vshll.u32 v4, $0x1  }
0x5f: {  	v4 =	vand.u32 $0x7, v4;
	v5 =	vand.u32 $0xFFFFFFF0, v5  }
0x60: {  	v4 =	vor.u32 v4, v5  }
0x61: {  	v5 =	vperm.xlane v4, v1;
	_ =	sdelay $0x1  }
0x62: {  	v4 =	vperm.xlane v4, v3;
	v5 =	vadd.s32 v2, v5;
	_ =	sdelay $0x1  }
0x63: {  	v4 =	vadd.s32 v2, v4;
	_ =	sdelay $0x1  }
0x64: {  	s18 =	simm.s32 $0x5400  }
0x65: {  	[tilespmem:s18], [sflag:$0x1] =	stream.indirect_vreg.gather [hbm4b:s3+s16], $0x80, v5, vm0, $0xb8;
	[tilespmem:$0x10400] =	vst v63  }
0x66: {  	s19 =	simm.s32 $0x5C00  }
0x67: {  	[tilespmem:s19], [sflag:$0x1] =	stream.indirect_vreg.gather [hbm4b:s3+s16], $0x80, v4, vm0, $0xb8;
	[tilespmem:$0x10400] =	vst v63  }
0x68: {  	v4 =	vld [tilespmem:$0x60];
	_ =	sdelay $0x4  }
0x69: {  	v5 =	vshll.u32 v4, $0x1  }
0x6a: {  	v4 =	vand.u32 $0x7, v4;
	v5 =	vand.u32 $0xFFFFFFF0, v5  }
0x6b: {  	v4 =	vor.u32 v4, v5  }
0x6c: {  	v5 =	vperm.xlane v4, v1;
	_ =	sdelay $0x1  }
0x6d: {  	v4 =	vperm.xlane v4, v3;
	v5 =	vadd.s32 v2, v5;
	_ =	sdelay $0x1  }
0x6e: {  	v4 =	vadd.s32 v2, v4;
	_ =	sdelay $0x2  }
0x6f: {  	[tilespmem:s20], [sflag:$0x1] =	stream.indirect_vreg.gather [hbm4b:s3+s16], $0x80, v5, vm0, $0xb8;
	[tilespmem:$0x10400] =	vst v63  }
0x70: {  	_ = 	snop  }
0x71: {  	[tilespmem:s21], [sflag:$0x1] =	stream.indirect_vreg.gather [hbm4b:s3+s16], $0x80, v4, vm0, $0xb8;
	[tilespmem:$0x10400] =	vst v63  }
0x72: {  	v4 =	vld [tilespmem:$0x70];
	_ =	sdelay $0x4  }
0x73: {  	v5 =	vshll.u32 v4, $0x1  }
0x74: {  	v4 =	vand.u32 $0x7, v4;
	v5 =	vand.u32 $0xFFFFFFF0, v5  }
0x75: {  	v4 =	vor.u32 v4, v5  }
0x76: {  	v5 =	vperm.xlane v4, v1;
	_ =	sdelay $0x1  }
0x77: {  	v4 =	vperm.xlane v4, v3;
	v5 =	vadd.s32 v2, v5;
	_ =	sdelay $0x1  }
0x78: {  	v4 =	vadd.s32 v2, v4  }
.Ltmp3:
0x79: {  	_ = 	snop;
	(pc) =	sbr.rel .LBB2_4-.Ltmp3, $4  }
0x7a: {  	_ = 	snop  }
0x7b: {  	[tilespmem:s22], [sflag:$0x1] =	stream.indirect_vreg.gather [hbm4b:s3+s16], $0x80, v5, vm0, $0xb8;
	[tilespmem:$0x10400] =	vst v63  }
0x7c: {  	s17 =	simm.s32 $0xC0  }
0x7d: {  	[tilespmem:s23], [sflag:$0x1] =	stream.indirect_vreg.gather [hbm4b:s3+s16], $0x80, v4, vm0, $0xb8;
	[tilespmem:$0x10400] =	vst v63  }
.LBB2_6:
0x7e: {  	_ =	swait.ge [sflag:s15], $0x8000;
	s16 =	sadd.s32 $0x2000, s16  }
0x7f: {  	[sflag:s15] =	ssyncset.done $0x0;
	p0 =	sne.s32 s16, $0x8000  }
.Ltmp4:
0x80: {  	s18 =	sadd.s32 $0x1000, s18;
	[sflag:s15] =	ssyncadd.s32 $0xFFFF8000;
	(pc) =	sbr.rel @!p0 .LBB2_7-.Ltmp4, $4  }
0x81: {  	[hbm4b:s18+s2] =	stream.linear.scatter [tilespmem:s24], [sflag:$0x3], $0x8000, $0x38;
	[tilespmem:$0x10400] =	vst v63  }
0x82: {  	_ =	swait.ge [sflag:s7], $0x8000  }
0x83: {  	[sflag:s7] =	ssyncset.done $0x0  }
0x84: {  	s17 =	sadd.s32 $0x100, s17;
	[sflag:s7] =	ssyncadd.s32 $0xFFFF8000  }
.LBB2_4:
0x85: {  	v4 =	vld [tilespmem:s17+$0xFFFFFFC0];
	_ =	sdelay $0x4  }
0x86: {  	v5 =	vshll.u32 v4, $0x1  }
0x87: {  	v4 =	vand.u32 $0x7, v4;
	v5 =	vand.u32 $0xFFFFFFF0, v5  }
0x88: {  	v4 =	vor.u32 v4, v5  }
0x89: {  	v5 =	vperm.xlane v4, v1;
	_ =	sdelay $0x1  }
0x8a: {  	v4 =	vperm.xlane v4, v3;
	v5 =	vadd.s32 v2, v5;
	_ =	sdelay $0x1  }
0x8b: {  	v4 =	vadd.s32 v2, v4;
	_ =	sdelay $0x2  }
0x8c: {  	[tilespmem:s24], [sflag:$0x2] =	stream.indirect_vreg.gather [hbm4b:s3+s2], $0x80, v5, vm0, $0xb8;
	[tilespmem:$0x10400] =	vst v63  }
0x8d: {  	_ = 	snop  }
0x8e: {  	[tilespmem:s25], [sflag:$0x2] =	stream.indirect_vreg.gather [hbm4b:s3+s2], $0x80, v4, vm0, $0xb8;
	[tilespmem:$0x10400] =	vst v63  }
0x8f: {  	v4 =	vld [tilespmem:s17+$0xFFFFFFD0];
	_ =	sdelay $0x4  }
0x90: {  	v5 =	vshll.u32 v4, $0x1  }
0x91: {  	v4 =	vand.u32 $0x7, v4;
	v5 =	vand.u32 $0xFFFFFFF0, v5  }
0x92: {  	v4 =	vor.u32 v4, v5  }
0x93: {  	v5 =	vperm.xlane v4, v1;
	_ =	sdelay $0x1  }
0x94: {  	v4 =	vperm.xlane v4, v3;
	v5 =	vadd.s32 v2, v5;
	_ =	sdelay $0x1  }
0x95: {  	v4 =	vadd.s32 v2, v4;
	_ =	sdelay $0x2  }
0x96: {  	[tilespmem:s26], [sflag:$0x2] =	stream.indirect_vreg.gather [hbm4b:s3+s2], $0x80, v5, vm0, $0xb8;
	[tilespmem:$0x10400] =	vst v63  }
0x97: {  	_ = 	snop  }
0x98: {  	[tilespmem:s28], [sflag:$0x2] =	stream.indirect_vreg.gather [hbm4b:s3+s2], $0x80, v4, vm0, $0xb8;
	[tilespmem:$0x10400] =	vst v63  }
0x99: {  	v4 =	vld [tilespmem:s17+$0xFFFFFFE0];
	_ =	sdelay $0x4  }
0x9a: {  	v5 =	vshll.u32 v4, $0x1  }
0x9b: {  	v4 =	vand.u32 $0x7, v4;
	v5 =	vand.u32 $0xFFFFFFF0, v5  }
0x9c: {  	v4 =	vor.u32 v4, v5  }
0x9d: {  	v5 =	vperm.xlane v4, v1;
	_ =	sdelay $0x1  }
0x9e: {  	v4 =	vperm.xlane v4, v3;
	v5 =	vadd.s32 v2, v5;
	_ =	sdelay $0x1  }
0x9f: {  	v4 =	vadd.s32 v2, v4;
	_ =	sdelay $0x2  }
0xa0: {  	[tilespmem:s29], [sflag:$0x2] =	stream.indirect_vreg.gather [hbm4b:s3+s2], $0x80, v5, vm0, $0xb8;
	[tilespmem:$0x10400] =	vst v63  }
0xa1: {  	_ = 	snop  }
0xa2: {  	[tilespmem:s30], [sflag:$0x2] =	stream.indirect_vreg.gather [hbm4b:s3+s2], $0x80, v4, vm0, $0xb8;
	[tilespmem:$0x10400] =	vst v63  }
0xa3: {  	v4 =	vld [tilespmem:s17+$0xFFFFFFF0];
	_ =	sdelay $0x4  }
0xa4: {  	v5 =	vshll.u32 v4, $0x1  }
0xa5: {  	v4 =	vand.u32 $0x7, v4;
	v5 =	vand.u32 $0xFFFFFFF0, v5  }
0xa6: {  	v4 =	vor.u32 v4, v5  }
0xa7: {  	v5 =	vperm.xlane v4, v1;
	_ =	sdelay $0x1  }
0xa8: {  	v4 =	vperm.xlane v4, v3;
	v5 =	vadd.s32 v2, v5;
	_ =	sdelay $0x1  }
0xa9: {  	v4 =	vadd.s32 v2, v4;
	_ =	sdelay $0x2  }
0xaa: {  	[tilespmem:s31], [sflag:$0x2] =	stream.indirect_vreg.gather [hbm4b:s3+s2], $0x80, v5, vm0, $0xb8;
	[tilespmem:$0x10400] =	vst v63  }
0xab: {  	_ = 	snop  }
0xac: {  	[tilespmem:s1], [sflag:$0x2] =	stream.indirect_vreg.gather [hbm4b:s3+s2], $0x80, v4, vm0, $0xb8;
	[tilespmem:$0x10400] =	vst v63  }
0xad: {  	v4 =	vld [tilespmem:s17+$0x0];
	_ =	sdelay $0x4  }
0xae: {  	v5 =	vshll.u32 v4, $0x1  }
0xaf: {  	v4 =	vand.u32 $0x7, v4;
	v5 =	vand.u32 $0xFFFFFFF0, v5  }
0xb0: {  	v4 =	vor.u32 v4, v5  }
0xb1: {  	v5 =	vperm.xlane v4, v1;
	_ =	sdelay $0x1  }
0xb2: {  	v4 =	vperm.xlane v4, v3;
	v5 =	vadd.s32 v2, v5;
	_ =	sdelay $0x1  }
0xb3: {  	v4 =	vadd.s32 v2, v4;
	_ =	sdelay $0x2  }
0xb4: {  	[tilespmem:s0], [sflag:$0x2] =	stream.indirect_vreg.gather [hbm4b:s3+s2], $0x80, v5, vm0, $0xb8;
	[tilespmem:$0x10400] =	vst v63  }
0xb5: {  	_ = 	snop  }
0xb6: {  	[tilespmem:s4], [sflag:$0x2] =	stream.indirect_vreg.gather [hbm4b:s3+s2], $0x80, v4, vm0, $0xb8;
	[tilespmem:$0x10400] =	vst v63  }
0xb7: {  	v4 =	vld [tilespmem:s17+$0x10];
	_ =	sdelay $0x4  }
0xb8: {  	v5 =	vshll.u32 v4, $0x1  }
0xb9: {  	v4 =	vand.u32 $0x7, v4;
	v5 =	vand.u32 $0xFFFFFFF0, v5  }
0xba: {  	v4 =	vor.u32 v4, v5  }
0xbb: {  	v5 =	vperm.xlane v4, v1;
	_ =	sdelay $0x1  }
0xbc: {  	v4 =	vperm.xlane v4, v3;
	v5 =	vadd.s32 v2, v5;
	_ =	sdelay $0x1  }
0xbd: {  	v4 =	vadd.s32 v2, v4;
	_ =	sdelay $0x2  }
0xbe: {  	[tilespmem:s5], [sflag:$0x2] =	stream.indirect_vreg.gather [hbm4b:s3+s2], $0x80, v5, vm0, $0xb8;
	[tilespmem:$0x10400] =	vst v63  }
0xbf: {  	_ = 	snop  }
0xc0: {  	[tilespmem:s9], [sflag:$0x2] =	stream.indirect_vreg.gather [hbm4b:s3+s2], $0x80, v4, vm0, $0xb8;
	[tilespmem:$0x10400] =	vst v63  }
0xc1: {  	v4 =	vld [tilespmem:s17+$0x20];
	_ =	sdelay $0x4  }
0xc2: {  	v5 =	vshll.u32 v4, $0x1  }
0xc3: {  	v4 =	vand.u32 $0x7, v4;
	v5 =	vand.u32 $0xFFFFFFF0, v5  }
0xc4: {  	v4 =	vor.u32 v4, v5  }
0xc5: {  	v5 =	vperm.xlane v4, v1;
	_ =	sdelay $0x1  }
0xc6: {  	v4 =	vperm.xlane v4, v3;
	v5 =	vadd.s32 v2, v5;
	_ =	sdelay $0x1  }
0xc7: {  	v4 =	vadd.s32 v2, v4;
	_ =	sdelay $0x2  }
0xc8: {  	[tilespmem:s10], [sflag:$0x2] =	stream.indirect_vreg.gather [hbm4b:s3+s2], $0x80, v5, vm0, $0xb8;
	[tilespmem:$0x10400] =	vst v63  }
0xc9: {  	_ = 	snop  }
0xca: {  	[tilespmem:s11], [sflag:$0x2] =	stream.indirect_vreg.gather [hbm4b:s3+s2], $0x80, v4, vm0, $0xb8;
	[tilespmem:$0x10400] =	vst v63  }
0xcb: {  	v4 =	vld [tilespmem:s17+$0x30];
	_ =	sdelay $0x4  }
0xcc: {  	v5 =	vshll.u32 v4, $0x1  }
0xcd: {  	v4 =	vand.u32 $0x7, v4;
	v5 =	vand.u32 $0xFFFFFFF0, v5  }
0xce: {  	v4 =	vor.u32 v4, v5  }
0xcf: {  	v5 =	vperm.xlane v4, v1;
	_ =	sdelay $0x1  }
0xd0: {  	v4 =	vperm.xlane v4, v3;
	v5 =	vadd.s32 v2, v5;
	_ =	sdelay $0x1  }
0xd1: {  	v4 =	vadd.s32 v2, v4;
	_ =	sdelay $0x2  }
0xd2: {  	[tilespmem:s12], [sflag:$0x2] =	stream.indirect_vreg.gather [hbm4b:s3+s2], $0x80, v5, vm0, $0xb8;
	[tilespmem:$0x10400] =	vst v63  }
0xd3: {  	_ = 	snop  }
0xd4: {  	[tilespmem:s13], [sflag:$0x2] =	stream.indirect_vreg.gather [hbm4b:s3+s2], $0x80, v4, vm0, $0xb8;
	[tilespmem:$0x10400] =	vst v63  }
0xd5: {  	_ =	swait.ge [sflag:s14], $0x8000  }
0xd6: {  	p0 =	seq.s32 s16, $0x6000;
	[sflag:s14] =	ssyncset.done $0x0  }
.Ltmp5:
0xd7: {  	s18 =	sadd.s32 s16, s6;
	[sflag:s14] =	ssyncadd.s32 $0xFFFF8000;
	(pc) =	sbr.rel @p0 .LBB2_6-.Ltmp5, $4  }
0xd8: {  	[hbm4b:s18+s2] =	stream.linear.scatter [tilespmem:s8], [sflag:$0x3], $0x8000, $0x38;
	[tilespmem:$0x10400] =	vst v63  }
0xd9: {  	_ =	swait.ge [sflag:s7], $0x8000  }
0xda: {  	[sflag:s7] =	ssyncset.done $0x0  }
0xdb: {  	[sflag:s7] =	ssyncadd.s32 $0xFFFF8000  }
0xdc: {  	v4 =	vld [tilespmem:s17+$0x40];
	_ =	sdelay $0x4  }
0xdd: {  	v5 =	vshll.u32 v4, $0x1  }
0xde: {  	v4 =	vand.u32 $0x7, v4;
	v5 =	vand.u32 $0xFFFFFFF0, v5  }
0xdf: {  	v4 =	vor.u32 v4, v5  }
0xe0: {  	v5 =	vperm.xlane v4, v1;
	_ =	sdelay $0x1  }
0xe1: {  	v4 =	vperm.xlane v4, v3;
	v5 =	vadd.s32 v2, v5;
	_ =	sdelay $0x1  }
0xe2: {  	v4 =	vadd.s32 v2, v4;
	_ =	sdelay $0x2  }
0xe3: {  	[tilespmem:s8], [sflag:$0x1] =	stream.indirect_vreg.gather [hbm4b:s3+s2], $0x80, v5, vm0, $0xb8;
	[tilespmem:$0x10400] =	vst v63  }
0xe4: {  	s19 =	simm.s32 $0xC00  }
0xe5: {  	[tilespmem:s19], [sflag:$0x1] =	stream.indirect_vreg.gather [hbm4b:s3+s2], $0x80, v4, vm0, $0xb8;
	[tilespmem:$0x10400] =	vst v63  }
0xe6: {  	v4 =	vld [tilespmem:s17+$0x50];
	_ =	sdelay $0x4  }
0xe7: {  	v5 =	vshll.u32 v4, $0x1  }
0xe8: {  	v4 =	vand.u32 $0x7, v4;
	v5 =	vand.u32 $0xFFFFFFF0, v5  }
0xe9: {  	v4 =	vor.u32 v4, v5  }
0xea: {  	v5 =	vperm.xlane v4, v1;
	_ =	sdelay $0x1  }
0xeb: {  	v4 =	vperm.xlane v4, v3;
	v5 =	vadd.s32 v2, v5;
	_ =	sdelay $0x1  }
0xec: {  	v4 =	vadd.s32 v2, v4;
	_ =	sdelay $0x1  }
0xed: {  	s19 =	simm.s32 $0x1400  }
0xee: {  	[tilespmem:s19], [sflag:$0x1] =	stream.indirect_vreg.gather [hbm4b:s3+s2], $0x80, v5, vm0, $0xb8;
	[tilespmem:$0x10400] =	vst v63  }
0xef: {  	s19 =	simm.s32 $0x1C00  }
0xf0: {  	[tilespmem:s19], [sflag:$0x1] =	stream.indirect_vreg.gather [hbm4b:s3+s2], $0x80, v4, vm0, $0xb8;
	[tilespmem:$0x10400] =	vst v63  }
0xf1: {  	v4 =	vld [tilespmem:s17+$0x60];
	_ =	sdelay $0x4  }
0xf2: {  	v5 =	vshll.u32 v4, $0x1  }
0xf3: {  	v4 =	vand.u32 $0x7, v4;
	v5 =	vand.u32 $0xFFFFFFF0, v5  }
0xf4: {  	v4 =	vor.u32 v4, v5  }
0xf5: {  	v5 =	vperm.xlane v4, v1;
	_ =	sdelay $0x1  }
0xf6: {  	v4 =	vperm.xlane v4, v3;
	v5 =	vadd.s32 v2, v5;
	_ =	sdelay $0x1  }
0xf7: {  	v4 =	vadd.s32 v2, v4;
	_ =	sdelay $0x1  }
0xf8: {  	s19 =	simm.s32 $0x2400  }
0xf9: {  	[tilespmem:s19], [sflag:$0x1] =	stream.indirect_vreg.gather [hbm4b:s3+s2], $0x80, v5, vm0, $0xb8;
	[tilespmem:$0x10400] =	vst v63  }
0xfa: {  	s19 =	simm.s32 $0x2C00  }
0xfb: {  	[tilespmem:s19], [sflag:$0x1] =	stream.indirect_vreg.gather [hbm4b:s3+s2], $0x80, v4, vm0, $0xb8;
	[tilespmem:$0x10400] =	vst v63  }
0xfc: {  	v4 =	vld [tilespmem:s17+$0x70];
	_ =	sdelay $0x4  }
0xfd: {  	v5 =	vshll.u32 v4, $0x1  }
0xfe: {  	v4 =	vand.u32 $0x7, v4;
	v5 =	vand.u32 $0xFFFFFFF0, v5  }
0xff: {  	v4 =	vor.u32 v4, v5  }
0x100: {  	v5 =	vperm.xlane v4, v1;
	_ =	sdelay $0x1  }
0x101: {  	v4 =	vperm.xlane v4, v3;
	v5 =	vadd.s32 v2, v5;
	_ =	sdelay $0x1  }
0x102: {  	v4 =	vadd.s32 v2, v4;
	_ =	sdelay $0x1  }
0x103: {  	s19 =	simm.s32 $0x3400  }
0x104: {  	[tilespmem:s19], [sflag:$0x1] =	stream.indirect_vreg.gather [hbm4b:s3+s2], $0x80, v5, vm0, $0xb8;
	[tilespmem:$0x10400] =	vst v63  }
0x105: {  	s19 =	simm.s32 $0x3C00  }
0x106: {  	[tilespmem:s19], [sflag:$0x1] =	stream.indirect_vreg.gather [hbm4b:s3+s2], $0x80, v4, vm0, $0xb8;
	[tilespmem:$0x10400] =	vst v63  }
0x107: {  	v4 =	vld [tilespmem:s17+$0x80];
	_ =	sdelay $0x4  }
0x108: {  	v5 =	vshll.u32 v4, $0x1  }
0x109: {  	v4 =	vand.u32 $0x7, v4;
	v5 =	vand.u32 $0xFFFFFFF0, v5  }
0x10a: {  	v4 =	vor.u32 v4, v5  }
0x10b: {  	v5 =	vperm.xlane v4, v1;
	_ =	sdelay $0x1  }
0x10c: {  	v4 =	vperm.xlane v4, v3;
	v5 =	vadd.s32 v2, v5;
	_ =	sdelay $0x1  }
0x10d: {  	v4 =	vadd.s32 v2, v4;
	_ =	sdelay $0x1  }
0x10e: {  	s19 =	simm.s32 $0x4400  }
0x10f: {  	[tilespmem:s19], [sflag:$0x1] =	stream.indirect_vreg.gather [hbm4b:s3+s2], $0x80, v5, vm0, $0xb8;
	[tilespmem:$0x10400] =	vst v63  }
0x110: {  	s19 =	simm.s32 $0x4C00  }
0x111: {  	[tilespmem:s19], [sflag:$0x1] =	stream.indirect_vreg.gather [hbm4b:s3+s2], $0x80, v4, vm0, $0xb8;
	[tilespmem:$0x10400] =	vst v63  }
0x112: {  	v4 =	vld [tilespmem:s17+$0x90];
	_ =	sdelay $0x4  }
0x113: {  	v5 =	vshll.u32 v4, $0x1  }
0x114: {  	v4 =	vand.u32 $0x7, v4;
	v5 =	vand.u32 $0xFFFFFFF0, v5  }
0x115: {  	v4 =	vor.u32 v4, v5  }
0x116: {  	v5 =	vperm.xlane v4, v1;
	_ =	sdelay $0x1  }
0x117: {  	v4 =	vperm.xlane v4, v3;
	v5 =	vadd.s32 v2, v5;
	_ =	sdelay $0x1  }
0x118: {  	v4 =	vadd.s32 v2, v4;
	_ =	sdelay $0x1  }
0x119: {  	s19 =	simm.s32 $0x5400  }
0x11a: {  	[tilespmem:s19], [sflag:$0x1] =	stream.indirect_vreg.gather [hbm4b:s3+s2], $0x80, v5, vm0, $0xb8;
	[tilespmem:$0x10400] =	vst v63  }
0x11b: {  	s19 =	simm.s32 $0x5C00  }
0x11c: {  	[tilespmem:s19], [sflag:$0x1] =	stream.indirect_vreg.gather [hbm4b:s3+s2], $0x80, v4, vm0, $0xb8;
	[tilespmem:$0x10400] =	vst v63  }
0x11d: {  	v4 =	vld [tilespmem:s17+$0xA0];
	_ =	sdelay $0x4  }
0x11e: {  	v5 =	vshll.u32 v4, $0x1  }
0x11f: {  	v4 =	vand.u32 $0x7, v4;
	v5 =	vand.u32 $0xFFFFFFF0, v5  }
0x120: {  	v4 =	vor.u32 v4, v5  }
0x121: {  	v5 =	vperm.xlane v4, v1;
	_ =	sdelay $0x1  }
0x122: {  	v4 =	vperm.xlane v4, v3;
	v5 =	vadd.s32 v2, v5;
	_ =	sdelay $0x1  }
0x123: {  	v4 =	vadd.s32 v2, v4;
	_ =	sdelay $0x2  }
0x124: {  	[tilespmem:s20], [sflag:$0x1] =	stream.indirect_vreg.gather [hbm4b:s3+s2], $0x80, v5, vm0, $0xb8;
	[tilespmem:$0x10400] =	vst v63  }
0x125: {  	_ = 	snop  }
0x126: {  	[tilespmem:s21], [sflag:$0x1] =	stream.indirect_vreg.gather [hbm4b:s3+s2], $0x80, v4, vm0, $0xb8;
	[tilespmem:$0x10400] =	vst v63  }
0x127: {  	v4 =	vld [tilespmem:s17+$0xB0];
	_ =	sdelay $0x4  }
0x128: {  	v5 =	vshll.u32 v4, $0x1  }
0x129: {  	v4 =	vand.u32 $0x7, v4;
	v5 =	vand.u32 $0xFFFFFFF0, v5  }
0x12a: {  	v4 =	vor.u32 v4, v5  }
0x12b: {  	v5 =	vperm.xlane v4, v1;
	_ =	sdelay $0x1  }
0x12c: {  	v4 =	vperm.xlane v4, v3;
	v5 =	vadd.s32 v2, v5;
	_ =	sdelay $0x1  }
0x12d: {  	v4 =	vadd.s32 v2, v4  }
.Ltmp6:
0x12e: {  	_ = 	snop;
	(pc) =	sbr.rel .LBB2_6-.Ltmp6, $4  }
0x12f: {  	_ = 	snop  }
0x130: {  	[tilespmem:s22], [sflag:$0x1] =	stream.indirect_vreg.gather [hbm4b:s3+s2], $0x80, v5, vm0, $0xb8;
	[tilespmem:$0x10400] =	vst v63  }
0x131: {  	_ = 	snop  }
0x132: {  	[tilespmem:s23], [sflag:$0x1] =	stream.indirect_vreg.gather [hbm4b:s3+s2], $0x80, v4, vm0, $0xb8;
	[tilespmem:$0x10400] =	vst v63  }
.LBB2_8:
0x133: {  	_ =	sfence.sel $0x180000  }
0x134: {  	[bflag:$0x0] =	sbarrier.arrive $0xFFFF  }
0x135: {  	_ =	strace $0x90000050  }
0x136: {  	s0 =	stileid.u32;
	[bflag:$0x2] =	sbarrier.arrive $0xFFFF  }
0x137: {  	p0 =	sne.s32 s0, $0x0;
	s0 =	rddreg [dreg:$0x1]  }
0x138: {  	s0 =	sadd.s32 @!p0 $0x100000, s0  }
0x139: {  	[sflag:s0] =	ssyncadd.tile.s32 @!p0 $0x1;
	_ =	shalt  }
.Lfunc_end2:
_tile_overlayer_lowered:
.L_overlay_start_2:
0x13a: {  	(tag) =	ssettag $0x2  }
0x13b: {  	s0 =	rddreg [dreg:$0x0];
	s2 =	stileid.u32  }
0x13c: {  	s1 =	rddreg [dreg:$0x1];
	p0 =	sne.s32 s2, $0x0  }
0x13d: {  	s3 =	rddreg [dreg:$0x2];
	[bflag:$0x3] =	sbarrier.arrive $0xFFFF;
	s2 =	simm.s32 @!p0 $0x1C03  }
0x13e: {  	[timem:s3], [sflag:s2] =	dma.local @!p0 [hbm:s0], s1  }
0x13f: {  	s0 =	simm.s32 @!p0 $0x3  }
0x140: {  	_ =	swait.ge @!p0 [sflag:s0], s1  }
0x141: {  	s1 =	ssub.s32 @!p0 $0x0, s1;
	[sflag:s0] =	ssyncset.done @!p0 $0x0  }
0x142: {  	[sflag:s0] =	ssyncadd.s32 @!p0 s1  }
0x143: {  	[bflag:$0x3] =	sbarrier.arrive $0xFFFF  }
0x144: {  	_ =	shalt  }

// kernel: kernel.13.cloned.1.call-start
scs
__scs_entry_jumppad:
0x0: {  	(pc) =	sbr.rel $0x88, $3  }
0x1: {  	(tag) =	ssettag $0x0;
	lr =	simm.s32 $0x1  }
0x2: {  	[smem:$0x3F9D] =	sst lr;
	_ =	strace $0xD0000000  }
0x3: {  	_ = 	snop  }
0x4: {  	_ = 	snop  }
0x5: {  	_ = 	snop  }
0x6: {  	_ = 	snop  }
0x7: {  	_ = 	snop  }
__scs_overlays_trampoline_lowered:
0x8: {  	[smem:$0x3FAC] =	sst s0  }
0x9: {  	[smem:$0x3FAD] =	sst s1  }
0xa: {  	[smem:$0x3FAE] =	sst s2  }
0xb: {  	[smem:$0x3FAF] =	sst s3  }
0xc: {  	[smem:$0x3FB0] =	sst s4  }
0xd: {  	[smem:$0x3FB1] =	sst s5  }
0xe: {  	[smem:$0x3FB2] =	sst s6  }
0xf: {  	[smem:$0x3FB3] =	sst s7  }
0x10: {  	[smem:$0x3FB4] =	sst s8  }
0x11: {  	[smem:$0x3FB5] =	sst s9;
	s0 =	simm.s32 @!p0 $0x0  }
0x12: {  	s1 =	sld [smem:$0x3F9B];
	s0 =	simm.s32 @p0 $0x1  }
0x13: {  	[smem:$0x3FB6] =	sst s0;
	s0 =	simm.s32 @!p1 $0x0  }
0x14: {  	s2 =	sld [smem:$0x3F9A];
	s0 =	simm.s32 @p1 $0x1  }
0x15: {  	[smem:$0x3FB7] =	sst s0;
	s0 =	simm.s32 @!p2 $0x0  }
0x16: {  	s3 =	sld [smem:$0x3FDB];
	s0 =	simm.s32 @p2 $0x1  }
0x17: {  	s4 =	simm.s32 $0x1BF5;
	[smem:$0x3FB9] =	sst s0  }
0x18: {  	s0 =	sld [smem:$0x3F9C];
	_ =	swait.ge [sflag:s4], $0x0  }
0x19: {  	s7 =	sld [smem:$0x3F9D]  }
0x1a: {  	s8 =	sadd.s32 $0xFFFFE003, lr  }
0x1b: {  	s9 =	sadd.s32 $0xFFFFFEF7, lr;
	s5 =	simm.s32 $0xFFFFFFFF;
	p2 =	slt.u32 s8, $0xFFFFF086  }
0x1c: {  	p1 =	slt.u32 s9, $0xF7A;
	s5 =	simm.s32 @!p2 $0x0  }
0x1d: {  	s5 =	simm.s32 @p1 $0x1;
	p0 =	seq.s32 s7, s2  }
0x1e: {  	s7 =	smul.u32 @!p0 $0xF7A, s2;
	p2 =	seq.s32 @!p0 s5, $0x0  }
0x1f: {  	s9 =	smul.u32 $0xF7A, s1;
	s8 =	simm.s32 @!p0 $0x1BF5;
	p2 =	por !p2, p0  }
0x20: {  	[sflag:s8] =	ssyncset.s32 @!p0 $0xFFFFF086;
	s6 =	sadd.s32 @!p0 s3, s7;
	s7 =	simm.s32 @!p0 $0x108  }
0x21: {  	s3 =	sadd.s32 s3, s9;
	s6 =	sadd.s32 @!p0 $0x88, s6;
	s7 =	simm.s32 @p2 $0x1082  }
0x22: {  	[simem:s7], [sflag:s8] =	dma.local @!p0 [hbm:s6], $0xF7A  }
0x23: {  	s9 =	sor.u32 $0xD0000000, s2;
	s6 =	simm.s32 $0x108;
	_ =	swait.ge @!p0 [sflag:s8], $0x0  }
0x24: {  	s3 =	sadd.s32 $0x88, s3;
	s6 =	simm.s32 @!p1 $0x1082;
	[sflag:s4] =	ssyncset.s32 $0xFFFFF086  }
0x25: {  	[simem:s6], [sflag:s4] =	dma.local [hbm:s3], $0xF7A  }
0x26: {  	[smem:$0x3F9D] =	sst s1;
	(tag) =	ssettag s2;
	_ =	strace s9  }
0x27: {  	s1 =	sld [smem:$0x3FAD]  }
0x28: {  	s2 =	sld [smem:$0x3FAE]  }
0x29: {  	s4 =	sld [smem:$0x3FB0]  }
0x2a: {  	p0 =	seq.s32 s5, $0x0;
	s5 =	sld [smem:$0x3FB1]  }
0x2b: {  	s6 =	sld [smem:$0x3FB2]  }
0x2c: {  	s7 =	sld [smem:$0x3FB3]  }
0x2d: {  	s3 =	simm.s32 $0x108;
	s8 =	sld [smem:$0x3FB4]  }
0x2e: {  	s3 =	simm.s32 @!p0 $0x1082;
	s9 =	sld [smem:$0x3FB5]  }
0x2f: {  	lr =	sadd.s32 s0, s3;
	s0 =	sld [smem:$0x3FAC]  }
0x30: {  	s3 =	sld [smem:$0x3FAF]  }
0x31: {  	[smem:$0x3FB8] =	sst s10  }
0x32: {  	s10 =	sld [smem:$0x3FB6];
	_ =	sdelay $0x3  }
0x33: {  	p0 =	seq.s32 s10, $0x1;
	s10 =	sld [smem:$0x3FB8];
	_ =	sdelay $0x3  }
0x34: {  	[smem:$0x3FB8] =	sst s10  }
0x35: {  	s10 =	sld [smem:$0x3FB7];
	_ =	sdelay $0x3  }
0x36: {  	p1 =	seq.s32 s10, $0x1;
	s10 =	sld [smem:$0x3FB8];
	_ =	sdelay $0x3  }
0x37: {  	[smem:$0x3FB8] =	sst s10  }
0x38: {  	s10 =	sld [smem:$0x3FB9]  }
0x39: {  	_ = 	snop;
	(pc) =	sbr.ind lr, $3  }
0x3a: {  	_ = 	snop  }
0x3b: {  	_ = 	snop  }
0x3c: {  	p2 =	seq.s32 s10, $0x1;
	s10 =	sld [smem:$0x3FB8]  }
0x3d: {  	_ =	shalt  }
0x3e: {  	_ =	shalt  }
0x3f: {  	_ =	shalt  }
0x40: {  	_ =	shalt  }
0x41: {  	_ =	shalt  }
0x42: {  	_ =	shalt  }
0x43: {  	_ =	shalt  }
0x44: {  	_ =	shalt  }
0x45: {  	_ =	shalt  }
0x46: {  	_ =	shalt  }
0x47: {  	_ =	shalt  }
0x48: {  	_ =	shalt  }
0x49: {  	_ =	shalt  }
0x4a: {  	_ =	shalt  }
0x4b: {  	_ =	shalt  }
0x4c: {  	_ =	shalt  }
0x4d: {  	_ =	shalt  }
0x4e: {  	_ =	shalt  }
0x4f: {  	_ =	shalt  }
0x50: {  	_ =	shalt  }
0x51: {  	_ =	shalt  }
0x52: {  	_ =	shalt  }
0x53: {  	_ =	shalt  }
0x54: {  	_ =	shalt  }
0x55: {  	_ =	shalt  }
0x56: {  	_ =	shalt  }
0x57: {  	_ =	shalt  }
0x58: {  	_ =	shalt  }
0x59: {  	_ =	shalt  }
0x5a: {  	_ =	shalt  }
0x5b: {  	_ =	shalt  }
0x5c: {  	_ =	shalt  }
0x5d: {  	_ =	shalt  }
0x5e: {  	_ =	shalt  }
0x5f: {  	_ =	shalt  }
0x60: {  	_ =	shalt  }
0x61: {  	_ =	shalt  }
0x62: {  	_ =	shalt  }
0x63: {  	_ =	shalt  }
0x64: {  	_ =	shalt  }
0x65: {  	_ =	shalt  }
0x66: {  	_ =	shalt  }
0x67: {  	_ =	shalt  }
0x68: {  	_ =	shalt  }
0x69: {  	_ =	shalt  }
0x6a: {  	_ =	shalt  }
0x6b: {  	_ =	shalt  }
0x6c: {  	_ =	shalt  }
0x6d: {  	_ =	shalt  }
0x6e: {  	_ =	shalt  }
0x6f: {  	_ =	shalt  }
0x70: {  	_ =	shalt  }
0x71: {  	_ =	shalt  }
0x72: {  	_ =	shalt  }
0x73: {  	_ =	shalt  }
0x74: {  	_ =	shalt  }
0x75: {  	_ =	shalt  }
0x76: {  	_ =	shalt  }
0x77: {  	_ =	shalt  }
0x78: {  	_ =	shalt  }
0x79: {  	_ =	shalt  }
0x7a: {  	_ =	shalt  }
0x7b: {  	_ =	shalt  }
0x7c: {  	_ =	shalt  }
0x7d: {  	_ =	shalt  }
0x7e: {  	_ =	shalt  }
0x7f: {  	_ =	shalt  }
0x80: {  	_ =	shalt  }
0x81: {  	_ =	shalt  }
0x82: {  	_ =	shalt  }
0x83: {  	_ =	shalt  }
0x84: {  	_ =	shalt  }
0x85: {  	_ =	shalt  }
0x86: {  	_ =	shalt  }
0x87: {  	_ =	shalt  }
.Lfunc_end0:
.L_simem_size_0:
called_computation.1_lowered:
.L_overlay_start_0:
0x88: {  	s2 =	sld [smem:$0x3FD9]  }
0x89: {  	s3 =	sld [smem:$0x3FFE];
	_ =	sdelay $0x1  }
0x8a: {  	s1 =	srdreg.scid  }
0x8b: {  	s0 =	sand.u32 $0x1, s1  }
0x8c: {  	s17 =	sshll.u32 s0, $0xA;
	s2 =	sadd.s32 s3, s2  }
0x8d: {  	s2 =	sadd.s32 s2, s17  }
0x8e: {  	[smem:$0x3FC4] =	sst s2  }
0x8f: {  	_ = 	snop  }
0x90: {  	s2 =	sld [smem:$0x3FD0];
	(tm) =	ssettm $0x1  }
0x91: {  	s18 =	sld [smem:$0x3FFB];
	_ =	sdelay $0x3  }
0x92: {  	_ =	strace s18  }
0x93: {  	s3 =	sld [smem:$0x3FFC];
	_ =	sdelay $0x3  }
0x94: {  	_ =	strace s3  }
0x95: {  	s3 =	sld [smem:$0x3FFD];
	_ =	sdelay $0x3  }
0x96: {  	_ =	strace s3  }
0x97: {  	_ =	strace $0x8FFFFFFF  }
0x98: {  	s19 =	sld [smem:$0x3FDB];
	_ =	sdelay $0x1  }
0x99: {  	s4 =	simm.s32 $_scs_section_size  }
0x9a: {  	s5 =	simm.s32 $_size__tile_overlayer_lowered;
	s6 =	simm.s32 $_tile_overlayer_lowered  }
0x9b: {  	s22 =	simm.s32 $0x1BFF;
	s21 =	sshll.u32 s6, $0x1;
	s3 =	sadd.s32 s4, s19  }
0x9c: {  	s7 =	simm.s32 $0x0;
	s20 =	sshll.u32 s5, $0x1;
	s5 =	sadd.s32 s21, s3  }
0x9d: {  	[timem:s7], [sflag:s22] =	dma.local [hbm:s5], s20  }
0x9e: {  	_ =	swait.ge [sflag:s22], s20  }
0x9f: {  	s4 =	ssub.s32 $0x0, s20;
	[sflag:s22] =	ssyncset.done $0x0  }
0xa0: {  	[sflag:s22] =	ssyncadd.s32 s4;
	_ =	sdelay $0x1  }
0xa1: {  	s23 =	simm.s32 $0x1B8B  }
0xa2: {  	_ =	swait.ge [sflag:s23], $0x1  }
0xa3: {  	[sflag:s23] =	ssyncset.done $0x0  }
0xa4: {  	s25 =	simm.s32 $0x1B8E;
	s24 =	sld [smem:$0x3FFE];
	[sflag:s23] =	ssyncadd.s32 $0xFFFFFFFF  }
0xa5: {  	s26 =	simm.s32 $execute0_lowered;
	[smem:$0x3FD2] =	sst s25  }
0xa6: {  	s5 =	sshll.u32 s26, $0x1;
	_ =	strace $0x80000046;
	[dreg:$0x1] =	wrdreg $0xFFFFFFFF  }
0xa7: {  	s28 =	simm.s32 $_size_execute0_lowered;
	s3 =	sadd.s32 s3, s5;
	[dreg:$0x0] =	wrdreg $0x0  }
0xa8: {  	s5 =	sshll.u32 s28, $0x1;
	[dreg:$0x2] =	wrdreg s3  }
0xa9: {  	[dreg:$0x3] =	wrdreg s5  }
0xaa: {  	[dreg:$0x4] =	wrdreg $0xC0  }
0xab: {  	_ =	task [dreg:s7], $0x5FFFF  }
0xac: {  	[dreg:$0x1] =	wrdreg $0xFFFFFFFF  }
0xad: {  	[dreg:$0x0] =	wrdreg $0x60  }
0xae: {  	[dreg:$0x2] =	wrdreg s2  }
0xaf: {  	[dreg:$0x3] =	wrdreg s24  }
0xb0: {  	[dreg:$0x4] =	wrdreg $0xA  }
0xb1: {  	_ =	task.clear_ibuf [dreg:s7], $0x5FFFF;
	_ =	strace $0x90000046  }
0xb2: {  	s29 =	simm.s32 $0xA;
	_ =	strace $0x80000048  }
0xb3: {  	_ =	swait.ge [sflag:s29], $0x1  }
0xb4: {  	[sflag:s29] =	ssyncadd.s32 $0xFFFFFFFF  }
0xb5: {  	_ =	strace $0x90000048  }
0xb6: {  	_ =	sfence  }
0xb7: {  	s30 =	sld [smem:$0x0];
	_ =	sdelay $0x2  }
0xb8: {  	s31 =	sshll.u32 s1, $0xD;
	s1 =	sshrl.u32 s1, $0x2  }
0xb9: {  	s3 =	sand.u32 $0x4000, s31;
	s1 =	sadd.s32 s1, s30  }
0xba: {  	s0 =	sor.u32 s3, s0;
	s1 =	sshll.u32 s1, $0x11  }
0xbb: {  	s0 =	sor.u32 s1, s0  }
0xbc: {  	s0 =	sadd.s32 $0x8F2B, s0  }
0xbd: {  	[sflag:s0] =	ssyncadd.remote.s32 $0x1  }
0xbe: {  	_ =	sfence.sel $0xFFFF  }
0xbf: {  	[dreg:$0x0] =	wrdreg $0xFFFFFFFF;
	(pc) =	sbr.abs _section_cstart, $3  }
0xc0: {  	[dreg:$0x1] =	wrdreg $0xFFFFFFFF  }
0xc1: {  	_ =	task.clear_ibuf [dreg:s7], $0x2FFFF;
	_ =	strace $0x9FFFFFFF  }
0xc2: {  	(tm) =	ssettm $0x7FFFFFFF  }
0xc3: {  	_ =	shalt  }
tec
execute0_lowered:
.L_overlay_start_1:
0x0: {  	(tag) =	ssettag $0x1  }
0x1: {  	s4 =	rddreg [dreg:$0x0]  }
0x2: {  	s5 =	rddreg [dreg:$0x1];
	s2 =	srdreg.scid  }
0x3: {  	s0 =	rddreg [dreg:$0x2];
	s1 =	stileid.u32  }
0x4: {  	s14 =	simm.s32 $0x3;
	s15 =	simm.s32 $0x80;
	s16 =	simm.s32 $0x400  }
0x5: {  	s17 =	simm.s32 $0x4400;
	s18 =	simm.s32 $0x1;
	s19 =	simm.s32 $0x100  }
0x6: {  	s20 =	simm.s32 $0x2;
	s21 =	simm.s32 $0x180;
	s22 =	simm.s32 $0x200  }
0x7: {  	s23 =	simm.s32 $0x280;
	s25 =	simm.s32 $0x380;
	s26 =	simm.s32 $0x0  }
0x8: {  	s3 =	sand.u32 $0x1, s2;
	s2 =	simm.s32 $0x0;
	s6 =	sshll.u32 s1, $0xB  }
0x9: {  	s31 =	sshll.u32 s1, $0xA;
	s7 =	sshll.u32 s3, $0xA;
	[smem:$0x7FF] =	sst s2  }
0xa: {  	s8 =	ssub.s32 $0x2, s3;
	s3 =	sadd.s32 $0x2200, s5;
	s24 =	sand.u32 $0x2000, s31  }
0xb: {  	s6 =	sor.u32 s7, s6;
	_ =	strace $0x80000047;
	s28 =	sshrl.u32 s8, $0x1  }
0xc: {  	v0 =	vmov s24;
	s24 =	simm.s32 $0x300;
	s7 =	sshll.u32 s6, $0x4;
	s30 =	sshrl.u32 s6, $0x3  }
0xd: {  	s29 =	ssub.s32 s8, s28;
	s13 =	sadd.s32 s7, s5;
	s4 =	sadd.s32 s4, s30  }
0xe: {  	s6 =	smax.u32 s29, $0x1;
	s5 =	sadd.s32 $0xC4200, s13;
	s7 =	sadd.s32 $0xC4A00, s13  }
0xf: {  	s8 =	sadd.s32 $0xC5200, s13;
	s9 =	sadd.s32 $0xC5A00, s13;
	s10 =	sadd.s32 $0xC6200, s13  }
0x10: {  	s11 =	sadd.s32 $0xC6A00, s13;
	s12 =	sadd.s32 $0xC7200, s13;
	s13 =	sadd.s32 $0xC7A00, s13  }
.LBB2_1:
0x11: {  	[tilespmem:s2], [sflag:$0x3] =	stream.linear.gather [hbm4b:s4+s2], $0x400, $0x38;
	[tilespmem:$0x8400] =	vst v63  }
0x12: {  	_ =	swait.ge [sflag:s14], $0x400  }
0x13: {  	[sflag:s14] =	ssyncset.done $0x0  }
0x14: {  	s28 =	simm.s32 $0x0;
	s29 =	simm.s32 $0x40;
	[sflag:s14] =	ssyncadd.s32 $0xFFFFFC00  }
.LBB2_2:
0x15: {  	p0 =	sne.s32 s29, $0xFC0;
	v1 =	vld [tilespmem:s28+$0x0];
	_ =	sdelay $0x1  }
.Ltmp0:
0x16: {  	(pc) =	sbr.rel @p0 .LBB2_2-.Ltmp0, $3  }
0x17: {  	_ =	sdelay $0x1  }
0x18: {  	v1 =	vadd.s32 v0, v1  }
0x19: {  	[tilespmem:s28+$0x0] =	vst v1;
	s28 =	sshra.s32 s29, $0x2;
	s29 =	sadd.s32 $0x40, s29  }
0x1a: {  	v1 =	vld [tilespmem:s28+$0x0];
	_ =	sdelay $0x4  }
0x1b: {  	v1 =	vadd.s32 v0, v1  }
0x1c: {  	[tilespmem:s28+$0x0] =	vst v1  }
0x1d: {  	[tilespmem:s16], [sflag:$0x1] =	stream.indirect.gather [hbm4b:s3+s15], $0x80, s2, s15, $0xb8;
	[tilespmem:$0x8400] =	vst v63  }
0x1e: {  	_ = 	snop  }
0x1f: {  	[tilespmem:s17], [sflag:$0x2] =	stream.indirect.gather [hbm4b:s3+s15], $0x80, s15, s15, $0xb8;
	[tilespmem:$0x8400] =	vst v63  }
0x20: {  	_ =	swait.ge [sflag:s18], $0x4000  }
0x21: {  	[sflag:s18] =	ssyncset.done $0x0  }
0x22: {  	[sflag:s18] =	ssyncadd.s32 $0xFFFFC000  }
0x23: {  	[hbm4b:s5+s2] =	stream.linear.scatter [tilespmem:s16], [sflag:$0x3], $0x4000, $0x38;
	[tilespmem:$0x8400] =	vst v63  }
0x24: {  	_ =	swait.ge [sflag:s14], $0x4000  }
0x25: {  	[sflag:s14] =	ssyncset.done $0x0  }
0x26: {  	[sflag:s14] =	ssyncadd.s32 $0xFFFFC000  }
0x27: {  	[tilespmem:s16], [sflag:$0x1] =	stream.indirect.gather [hbm4b:s3+s15], $0x80, s19, s15, $0xb8;
	[tilespmem:$0x8400] =	vst v63  }
0x28: {  	_ =	swait.ge [sflag:s20], $0x4000  }
0x29: {  	[sflag:s20] =	ssyncset.done $0x0  }
0x2a: {  	[sflag:s20] =	ssyncadd.s32 $0xFFFFC000  }
0x2b: {  	[hbm4b:s7+s2] =	stream.linear.scatter [tilespmem:s17], [sflag:$0x3], $0x4000, $0x38;
	[tilespmem:$0x8400] =	vst v63  }
0x2c: {  	_ =	swait.ge [sflag:s14], $0x4000  }
0x2d: {  	[sflag:s14] =	ssyncset.done $0x0  }
0x2e: {  	[sflag:s14] =	ssyncadd.s32 $0xFFFFC000  }
0x2f: {  	[tilespmem:s17], [sflag:$0x2] =	stream.indirect.gather [hbm4b:s3+s15], $0x80, s21, s15, $0xb8;
	[tilespmem:$0x8400] =	vst v63  }
0x30: {  	_ =	swait.ge [sflag:s18], $0x4000  }
0x31: {  	[sflag:s18] =	ssyncset.done $0x0  }
0x32: {  	[sflag:s18] =	ssyncadd.s32 $0xFFFFC000  }
0x33: {  	[hbm4b:s8+s2] =	stream.linear.scatter [tilespmem:s16], [sflag:$0x3], $0x4000, $0x38;
	[tilespmem:$0x8400] =	vst v63  }
0x34: {  	_ =	swait.ge [sflag:s14], $0x4000  }
0x35: {  	[sflag:s14] =	ssyncset.done $0x0  }
0x36: {  	[sflag:s14] =	ssyncadd.s32 $0xFFFFC000  }
0x37: {  	[tilespmem:s16], [sflag:$0x1] =	stream.indirect.gather [hbm4b:s3+s15], $0x80, s22, s15, $0xb8;
	[tilespmem:$0x8400] =	vst v63  }
0x38: {  	_ =	swait.ge [sflag:s20], $0x4000  }
0x39: {  	[sflag:s20] =	ssyncset.done $0x0  }
0x3a: {  	[sflag:s20] =	ssyncadd.s32 $0xFFFFC000  }
0x3b: {  	[hbm4b:s9+s2] =	stream.linear.scatter [tilespmem:s17], [sflag:$0x3], $0x4000, $0x38;
	[tilespmem:$0x8400] =	vst v63  }
0x3c: {  	_ =	swait.ge [sflag:s14], $0x4000  }
0x3d: {  	[sflag:s14] =	ssyncset.done $0x0  }
0x3e: {  	[sflag:s14] =	ssyncadd.s32 $0xFFFFC000  }
0x3f: {  	[tilespmem:s17], [sflag:$0x2] =	stream.indirect.gather [hbm4b:s3+s15], $0x80, s23, s15, $0xb8;
	[tilespmem:$0x8400] =	vst v63  }
0x40: {  	_ =	swait.ge [sflag:s18], $0x4000  }
0x41: {  	[sflag:s18] =	ssyncset.done $0x0  }
0x42: {  	[sflag:s18] =	ssyncadd.s32 $0xFFFFC000  }
0x43: {  	[hbm4b:s10+s2] =	stream.linear.scatter [tilespmem:s16], [sflag:$0x3], $0x4000, $0x38;
	[tilespmem:$0x8400] =	vst v63  }
0x44: {  	_ =	swait.ge [sflag:s14], $0x4000  }
0x45: {  	[sflag:s14] =	ssyncset.done $0x0  }
0x46: {  	[sflag:s14] =	ssyncadd.s32 $0xFFFFC000  }
0x47: {  	[tilespmem:s16], [sflag:$0x1] =	stream.indirect.gather [hbm4b:s3+s15], $0x80, s24, s15, $0xb8;
	[tilespmem:$0x8400] =	vst v63  }
0x48: {  	_ =	swait.ge [sflag:s20], $0x4000  }
0x49: {  	[sflag:s20] =	ssyncset.done $0x0  }
0x4a: {  	[sflag:s20] =	ssyncadd.s32 $0xFFFFC000  }
0x4b: {  	[hbm4b:s11+s2] =	stream.linear.scatter [tilespmem:s17], [sflag:$0x3], $0x4000, $0x38;
	[tilespmem:$0x8400] =	vst v63  }
0x4c: {  	_ =	swait.ge [sflag:s14], $0x4000  }
0x4d: {  	[sflag:s14] =	ssyncset.done $0x0  }
0x4e: {  	[sflag:s14] =	ssyncadd.s32 $0xFFFFC000  }
0x4f: {  	[tilespmem:s17], [sflag:$0x2] =	stream.indirect.gather [hbm4b:s3+s15], $0x80, s25, s15, $0xb8;
	[tilespmem:$0x8400] =	vst v63  }
0x50: {  	_ =	swait.ge [sflag:s18], $0x4000  }
0x51: {  	[sflag:s18] =	ssyncset.done $0x0  }
0x52: {  	[sflag:s18] =	ssyncadd.s32 $0xFFFFC000  }
0x53: {  	[hbm4b:s12+s2] =	stream.linear.scatter [tilespmem:s16], [sflag:$0x3], $0x4000, $0x38;
	[tilespmem:$0x8400] =	vst v63  }
0x54: {  	_ =	swait.ge [sflag:s14], $0x4000  }
0x55: {  	[sflag:s14] =	ssyncset.done $0x0  }
0x56: {  	[sflag:s14] =	ssyncadd.s32 $0xFFFFC000  }
0x57: {  	s26 =	sadd.s32 $0x1, s26;
	_ =	swait.ge [sflag:s20], $0x4000  }
0x58: {  	p0 =	sne.s32 s26, s6;
	[sflag:s20] =	ssyncset.done $0x0  }
.Ltmp1:
0x59: {  	[sflag:s20] =	ssyncadd.s32 $0xFFFFC000;
	(pc) =	sbr.rel @p0 .LBB2_1-.Ltmp1, $4  }
0x5a: {  	[hbm4b:s13+s2] =	stream.linear.scatter [tilespmem:s17], [sflag:$0x3], $0x4000, $0x38;
	[tilespmem:$0x8400] =	vst v63  }
0x5b: {  	_ =	swait.ge [sflag:s14], $0x4000  }
0x5c: {  	[sflag:s14] =	ssyncset.done $0x0  }
0x5d: {  	[sflag:s14] =	ssyncadd.s32 $0xFFFFC000  }
0x5e: {  	_ =	sfence.sel $0x180000  }
0x5f: {  	[bflag:$0x0] =	sbarrier.arrive $0xFFFF  }
0x60: {  	p0 =	sne.s32 s1, $0x0;
	_ =	strace $0x90000047  }
0x61: {  	s0 =	sadd.s32 @!p0 $0x100000, s0;
	[bflag:$0x2] =	sbarrier.arrive $0xFFFF  }
0x62: {  	[sflag:s0] =	ssyncadd.tile.s32 @!p0 $0x1;
	_ =	shalt  }
.Lfunc_end2:
_tile_overlayer_lowered:
.L_overlay_start_2:
0x63: {  	(tag) =	ssettag $0x2  }
0x64: {  	s0 =	rddreg [dreg:$0x0];
	s2 =	stileid.u32  }
0x65: {  	s1 =	rddreg [dreg:$0x1];
	p0 =	sne.s32 s2, $0x0  }
0x66: {  	s3 =	rddreg [dreg:$0x2];
	[bflag:$0x3] =	sbarrier.arrive $0xFFFF;
	s2 =	simm.s32 @!p0 $0x1C03  }
0x67: {  	[timem:s3], [sflag:s2] =	dma.local @!p0 [hbm:s0], s1  }
0x68: {  	s0 =	simm.s32 @!p0 $0x3  }
0x69: {  	_ =	swait.ge @!p0 [sflag:s0], s1  }
0x6a: {  	s1 =	ssub.s32 @!p0 $0x0, s1;
	[sflag:s0] =	ssyncset.done @!p0 $0x0  }
0x6b: {  	[sflag:s0] =	ssyncadd.s32 @!p0 s1  }
0x6c: {  	[bflag:$0x3] =	sbarrier.arrive $0xFFFF  }
0x6d: {  	_ =	shalt  }

// kernel: kernel.16.cloned.1.call-start
scs
__scs_entry_jumppad:
0x0: {  	(pc) =	sbr.rel $0x88, $3  }
0x1: {  	(tag) =	ssettag $0x0;
	lr =	simm.s32 $0x1  }
0x2: {  	[smem:$0x3F9D] =	sst lr;
	_ =	strace $0xD0000000  }
0x3: {  	_ = 	snop  }
0x4: {  	_ = 	snop  }
0x5: {  	_ = 	snop  }
0x6: {  	_ = 	snop  }
0x7: {  	_ = 	snop  }
__scs_overlays_trampoline_lowered:
0x8: {  	[smem:$0x3FAC] =	sst s0  }
0x9: {  	[smem:$0x3FAD] =	sst s1  }
0xa: {  	[smem:$0x3FAE] =	sst s2  }
0xb: {  	[smem:$0x3FAF] =	sst s3  }
0xc: {  	[smem:$0x3FB0] =	sst s4  }
0xd: {  	[smem:$0x3FB1] =	sst s5  }
0xe: {  	[smem:$0x3FB2] =	sst s6  }
0xf: {  	[smem:$0x3FB3] =	sst s7  }
0x10: {  	[smem:$0x3FB4] =	sst s8  }
0x11: {  	[smem:$0x3FB5] =	sst s9;
	s0 =	simm.s32 @!p0 $0x0  }
0x12: {  	s1 =	sld [smem:$0x3F9B];
	s0 =	simm.s32 @p0 $0x1  }
0x13: {  	[smem:$0x3FB6] =	sst s0;
	s0 =	simm.s32 @!p1 $0x0  }
0x14: {  	s2 =	sld [smem:$0x3F9A];
	s0 =	simm.s32 @p1 $0x1  }
0x15: {  	[smem:$0x3FB7] =	sst s0;
	s0 =	simm.s32 @!p2 $0x0  }
0x16: {  	s3 =	sld [smem:$0x3FDB];
	s0 =	simm.s32 @p2 $0x1  }
0x17: {  	s4 =	simm.s32 $0x1BF5;
	[smem:$0x3FB9] =	sst s0  }
0x18: {  	s0 =	sld [smem:$0x3F9C];
	_ =	swait.ge [sflag:s4], $0x0  }
0x19: {  	s7 =	sld [smem:$0x3F9D]  }
0x1a: {  	s8 =	sadd.s32 $0xFFFFE003, lr  }
0x1b: {  	s9 =	sadd.s32 $0xFFFFFEF7, lr;
	s5 =	simm.s32 $0xFFFFFFFF;
	p2 =	slt.u32 s8, $0xFFFFF086  }
0x1c: {  	p1 =	slt.u32 s9, $0xF7A;
	s5 =	simm.s32 @!p2 $0x0  }
0x1d: {  	s5 =	simm.s32 @p1 $0x1;
	p0 =	seq.s32 s7, s2  }
0x1e: {  	s7 =	smul.u32 @!p0 $0xF7A, s2;
	p2 =	seq.s32 @!p0 s5, $0x0  }
0x1f: {  	s9 =	smul.u32 $0xF7A, s1;
	s8 =	simm.s32 @!p0 $0x1BF5;
	p2 =	por !p2, p0  }
0x20: {  	[sflag:s8] =	ssyncset.s32 @!p0 $0xFFFFF086;
	s6 =	sadd.s32 @!p0 s3, s7;
	s7 =	simm.s32 @!p0 $0x108  }
0x21: {  	s3 =	sadd.s32 s3, s9;
	s6 =	sadd.s32 @!p0 $0x88, s6;
	s7 =	simm.s32 @p2 $0x1082  }
0x22: {  	[simem:s7], [sflag:s8] =	dma.local @!p0 [hbm:s6], $0xF7A  }
0x23: {  	s9 =	sor.u32 $0xD0000000, s2;
	s6 =	simm.s32 $0x108;
	_ =	swait.ge @!p0 [sflag:s8], $0x0  }
0x24: {  	s3 =	sadd.s32 $0x88, s3;
	s6 =	simm.s32 @!p1 $0x1082;
	[sflag:s4] =	ssyncset.s32 $0xFFFFF086  }
0x25: {  	[simem:s6], [sflag:s4] =	dma.local [hbm:s3], $0xF7A  }
0x26: {  	[smem:$0x3F9D] =	sst s1;
	(tag) =	ssettag s2;
	_ =	strace s9  }
0x27: {  	s1 =	sld [smem:$0x3FAD]  }
0x28: {  	s2 =	sld [smem:$0x3FAE]  }
0x29: {  	s4 =	sld [smem:$0x3FB0]  }
0x2a: {  	p0 =	seq.s32 s5, $0x0;
	s5 =	sld [smem:$0x3FB1]  }
0x2b: {  	s6 =	sld [smem:$0x3FB2]  }
0x2c: {  	s7 =	sld [smem:$0x3FB3]  }
0x2d: {  	s3 =	simm.s32 $0x108;
	s8 =	sld [smem:$0x3FB4]  }
0x2e: {  	s3 =	simm.s32 @!p0 $0x1082;
	s9 =	sld [smem:$0x3FB5]  }
0x2f: {  	lr =	sadd.s32 s0, s3;
	s0 =	sld [smem:$0x3FAC]  }
0x30: {  	s3 =	sld [smem:$0x3FAF]  }
0x31: {  	[smem:$0x3FB8] =	sst s10  }
0x32: {  	s10 =	sld [smem:$0x3FB6];
	_ =	sdelay $0x3  }
0x33: {  	p0 =	seq.s32 s10, $0x1;
	s10 =	sld [smem:$0x3FB8];
	_ =	sdelay $0x3  }
0x34: {  	[smem:$0x3FB8] =	sst s10  }
0x35: {  	s10 =	sld [smem:$0x3FB7];
	_ =	sdelay $0x3  }
0x36: {  	p1 =	seq.s32 s10, $0x1;
	s10 =	sld [smem:$0x3FB8];
	_ =	sdelay $0x3  }
0x37: {  	[smem:$0x3FB8] =	sst s10  }
0x38: {  	s10 =	sld [smem:$0x3FB9]  }
0x39: {  	_ = 	snop;
	(pc) =	sbr.ind lr, $3  }
0x3a: {  	_ = 	snop  }
0x3b: {  	_ = 	snop  }
0x3c: {  	p2 =	seq.s32 s10, $0x1;
	s10 =	sld [smem:$0x3FB8]  }
0x3d: {  	_ =	shalt  }
0x3e: {  	_ =	shalt  }
0x3f: {  	_ =	shalt  }
0x40: {  	_ =	shalt  }
0x41: {  	_ =	shalt  }
0x42: {  	_ =	shalt  }
0x43: {  	_ =	shalt  }
0x44: {  	_ =	shalt  }
0x45: {  	_ =	shalt  }
0x46: {  	_ =	shalt  }
0x47: {  	_ =	shalt  }
0x48: {  	_ =	shalt  }
0x49: {  	_ =	shalt  }
0x4a: {  	_ =	shalt  }
0x4b: {  	_ =	shalt  }
0x4c: {  	_ =	shalt  }
0x4d: {  	_ =	shalt  }
0x4e: {  	_ =	shalt  }
0x4f: {  	_ =	shalt  }
0x50: {  	_ =	shalt  }
0x51: {  	_ =	shalt  }
0x52: {  	_ =	shalt  }
0x53: {  	_ =	shalt  }
0x54: {  	_ =	shalt  }
0x55: {  	_ =	shalt  }
0x56: {  	_ =	shalt  }
0x57: {  	_ =	shalt  }
0x58: {  	_ =	shalt  }
0x59: {  	_ =	shalt  }
0x5a: {  	_ =	shalt  }
0x5b: {  	_ =	shalt  }
0x5c: {  	_ =	shalt  }
0x5d: {  	_ =	shalt  }
0x5e: {  	_ =	shalt  }
0x5f: {  	_ =	shalt  }
0x60: {  	_ =	shalt  }
0x61: {  	_ =	shalt  }
0x62: {  	_ =	shalt  }
0x63: {  	_ =	shalt  }
0x64: {  	_ =	shalt  }
0x65: {  	_ =	shalt  }
0x66: {  	_ =	shalt  }
0x67: {  	_ =	shalt  }
0x68: {  	_ =	shalt  }
0x69: {  	_ =	shalt  }
0x6a: {  	_ =	shalt  }
0x6b: {  	_ =	shalt  }
0x6c: {  	_ =	shalt  }
0x6d: {  	_ =	shalt  }
0x6e: {  	_ =	shalt  }
0x6f: {  	_ =	shalt  }
0x70: {  	_ =	shalt  }
0x71: {  	_ =	shalt  }
0x72: {  	_ =	shalt  }
0x73: {  	_ =	shalt  }
0x74: {  	_ =	shalt  }
0x75: {  	_ =	shalt  }
0x76: {  	_ =	shalt  }
0x77: {  	_ =	shalt  }
0x78: {  	_ =	shalt  }
0x79: {  	_ =	shalt  }
0x7a: {  	_ =	shalt  }
0x7b: {  	_ =	shalt  }
0x7c: {  	_ =	shalt  }
0x7d: {  	_ =	shalt  }
0x7e: {  	_ =	shalt  }
0x7f: {  	_ =	shalt  }
0x80: {  	_ =	shalt  }
0x81: {  	_ =	shalt  }
0x82: {  	_ =	shalt  }
0x83: {  	_ =	shalt  }
0x84: {  	_ =	shalt  }
0x85: {  	_ =	shalt  }
0x86: {  	_ =	shalt  }
0x87: {  	_ =	shalt  }
.Lfunc_end0:
.L_simem_size_0:
called_computation.2_lowered:
.L_overlay_start_0:
0x88: {  	s2 =	sld [smem:$0x3FD9]  }
0x89: {  	s3 =	sld [smem:$0x3FFE];
	_ =	sdelay $0x1  }
0x8a: {  	s1 =	srdreg.scid  }
0x8b: {  	s0 =	sand.u32 $0x1, s1  }
0x8c: {  	s17 =	sshll.u32 s0, $0xA;
	s2 =	sadd.s32 s3, s2  }
0x8d: {  	s2 =	sadd.s32 s2, s17  }
0x8e: {  	[smem:$0x3FC4] =	sst s2  }
0x8f: {  	_ = 	snop  }
0x90: {  	(tm) =	ssettm $0x1  }
0x91: {  	s18 =	sld [smem:$0x3FFB];
	_ =	sdelay $0x3  }
0x92: {  	_ =	strace s18  }
0x93: {  	s2 =	sld [smem:$0x3FFC];
	_ =	sdelay $0x3  }
0x94: {  	_ =	strace s2  }
0x95: {  	s2 =	sld [smem:$0x3FFD];
	_ =	sdelay $0x3  }
0x96: {  	_ =	strace s2  }
0x97: {  	_ =	strace $0x8FFFFFFF  }
0x98: {  	s19 =	sld [smem:$0x3FDB];
	_ =	sdelay $0x1  }
0x99: {  	s20 =	simm.s32 $_scs_section_size  }
0x9a: {  	s4 =	simm.s32 $_size__tile_overlayer_lowered;
	s5 =	simm.s32 $_tile_overlayer_lowered  }
0x9b: {  	s6 =	simm.s32 $0x1BFF;
	s21 =	sshll.u32 s5, $0x1;
	s3 =	sadd.s32 s20, s19  }
0x9c: {  	s22 =	simm.s32 $0x0;
	s4 =	sshll.u32 s4, $0x1;
	s5 =	sadd.s32 s21, s3  }
0x9d: {  	[timem:s22], [sflag:s6] =	dma.local [hbm:s5], s4  }
0x9e: {  	_ =	swait.ge [sflag:s6], s4  }
0x9f: {  	s4 =	ssub.s32 $0x0, s4;
	[sflag:s6] =	ssyncset.done $0x0  }
0xa0: {  	[sflag:s6] =	ssyncadd.s32 s4;
	_ =	sdelay $0x1  }
0xa1: {  	s23 =	simm.s32 $0x1B8B  }
0xa2: {  	_ =	swait.ge [sflag:s23], $0x1  }
0xa3: {  	[sflag:s23] =	ssyncset.done $0x0  }
0xa4: {  	[sflag:s23] =	ssyncadd.s32 $0xFFFFFFFF  }
0xa5: {  	s4 =	sld [smem:$0x0]  }
0xa6: {  	s5 =	sand.u32 $0xFFFFFFFE, s1  }
0xa7: {  	p0 =	sne.s32 s1, s5  }
0xa8: {  	s5 =	sshll.u32 @p0 s5, $0xE  }
0xa9: {  	s5 =	sadd.s32 @p0 $0x11B8D, s5;
	s6 =	sshll.u32 @p0 s4, $0x11  }
0xaa: {  	s5 =	sor.u32 @p0 s6, s5  }
0xab: {  	[sflag:s5] =	ssyncadd.remote.s32 @p0 $0x1;
	_ =	sdelay $0x1  }
0xac: {  	s5 =	simm.s32 @p0 $0x1B8D  }
0xad: {  	_ =	swait.eq @p0 [sflag:s5], $0x1  }
0xae: {  	[sflag:s5] =	ssyncadd.s32 @p0 $0xFFFFFFFF  }
0xaf: {  	s6 =	sshll.u32 @!p0 s1, $0xE  }
0xb0: {  	s6 =	sor.u32 @!p0 $0x4000, s6;
	s5 =	simm.s32 @!p0 $0x1B8D  }
0xb1: {  	s4 =	sshll.u32 @!p0 s4, $0x11;
	s6 =	sadd.s32 @!p0 $0x11B8D, s6;
	_ =	swait.eq @!p0 [sflag:s5], $0x1  }
0xb2: {  	s4 =	sor.u32 @!p0 s4, s6;
	[sflag:s5] =	ssyncadd.s32 @!p0 $0xFFFFFFFF  }
0xb3: {  	s25 =	simm.s32 $0x1B8E;
	s24 =	sld [smem:$0x3FFE];
	[sflag:s4] =	ssyncadd.remote.s32 @!p0 $0x1  }
0xb4: {  	s26 =	simm.s32 $execute0_lowered;
	[smem:$0x3FD2] =	sst s25  }
0xb5: {  	s5 =	sshll.u32 s26, $0x1;
	_ =	strace $0x80000049;
	[dreg:$0x1] =	wrdreg $0xFFFFFFFF  }
0xb6: {  	s28 =	simm.s32 $_size_execute0_lowered;
	s3 =	sadd.s32 s3, s5;
	[dreg:$0x0] =	wrdreg $0x0  }
0xb7: {  	s5 =	sshll.u32 s28, $0x1;
	[dreg:$0x2] =	wrdreg s3  }
0xb8: {  	[dreg:$0x3] =	wrdreg s5  }
0xb9: {  	[dreg:$0x4] =	wrdreg $0xC0  }
0xba: {  	_ =	task [dreg:s22], $0x5FFFF  }
0xbb: {  	[dreg:$0x1] =	wrdreg $0xFFFFFFFF  }
0xbc: {  	[dreg:$0x0] =	wrdreg $0x60  }
0xbd: {  	[dreg:$0x2] =	wrdreg s24  }
0xbe: {  	[dreg:$0x3] =	wrdreg $0xB  }
0xbf: {  	_ =	task.clear_ibuf [dreg:s22], $0x4FFFF;
	_ =	strace $0x90000049  }
0xc0: {  	s29 =	simm.s32 $0xB;
	_ =	strace $0x8000004B  }
0xc1: {  	_ =	swait.ge [sflag:s29], $0x1  }
0xc2: {  	[sflag:s29] =	ssyncadd.s32 $0xFFFFFFFF  }
0xc3: {  	_ =	strace $0x9000004B  }
0xc4: {  	_ =	sfence  }
0xc5: {  	s30 =	sld [smem:$0x0];
	_ =	sdelay $0x2  }
0xc6: {  	s31 =	sshll.u32 s1, $0xD;
	s1 =	sshrl.u32 s1, $0x2  }
0xc7: {  	s4 =	sand.u32 $0x4000, s31;
	s1 =	sadd.s32 s1, s30  }
0xc8: {  	s0 =	sor.u32 s4, s0;
	s1 =	sshll.u32 s1, $0x11  }
0xc9: {  	s0 =	sor.u32 s1, s0  }
0xca: {  	s0 =	sadd.s32 $0x8F2B, s0  }
0xcb: {  	[sflag:s0] =	ssyncadd.remote.s32 $0x1  }
0xcc: {  	_ =	sfence.sel $0xFFFF  }
0xcd: {  	[dreg:$0x0] =	wrdreg $0xFFFFFFFF;
	(pc) =	sbr.abs _section_cstart, $3  }
0xce: {  	[dreg:$0x1] =	wrdreg $0xFFFFFFFF  }
0xcf: {  	_ =	task.clear_ibuf [dreg:s22], $0x2FFFF;
	_ =	strace $0x9FFFFFFF  }
0xd0: {  	(tm) =	ssettm $0x7FFFFFFF  }
0xd1: {  	_ =	shalt  }
tec
execute0_lowered:
.L_overlay_start_1:
0x0: {  	(tag) =	ssettag $0x1  }
0x1: {  	s1 =	srdreg.scid;
	s0 =	stileid.u32  }
0x2: {  	s5 =	rddreg [dreg:$0x0];
	s2 =	simm.s32 $0x0;
	s14 =	simm.s32 $0x3  }
0x3: {  	s15 =	simm.s32 $0x80;
	s16 =	simm.s32 $0x400;
	s17 =	simm.s32 $0x4400  }
0x4: {  	s18 =	simm.s32 $0x1;
	s19 =	simm.s32 $0x100;
	s20 =	simm.s32 $0x2  }
0x5: {  	s21 =	simm.s32 $0x180;
	s22 =	simm.s32 $0x200;
	s23 =	simm.s32 $0x280  }
0x6: {  	s25 =	simm.s32 $0x380;
	s4 =	sand.u32 $0x1, s1;
	s1 =	rddreg [dreg:$0x1]  }
0x7: {  	s3 =	sshll.u32 s0, $0xB;
	[smem:$0x7FF] =	sst s2;
	s6 =	sshll.u32 s4, $0xA  }
0x8: {  	s30 =	sshll.u32 s0, $0xA;
	_ =	strace $0x8000004A;
	s3 =	sor.u32 s6, s3  }
0x9: {  	s31 =	ssub.s32 $0x2, s4;
	s24 =	sand.u32 $0x2000, s30;
	s6 =	sshrl.u32 s3, $0x3  }
0xa: {  	v0 =	vmov s24;
	s24 =	simm.s32 $0x300;
	s7 =	sshll.u32 s3, $0x4;
	s6 =	sadd.s32 s6, s5  }
0xb: {  	s3 =	sadd.s32 $0x42200, s5;
	s13 =	sadd.s32 s7, s5;
	s4 =	sadd.s32 $0xC2200, s6  }
0xc: {  	s8 =	sshrl.u32 s31, $0x1;
	s5 =	sadd.s32 $0x144200, s13;
	s6 =	sadd.s32 $0x144A00, s13  }
0xd: {  	s9 =	ssub.s32 s31, s8;
	s7 =	sadd.s32 $0x145200, s13;
	s8 =	sadd.s32 $0x145A00, s13  }
0xe: {  	s26 =	simm.s32 $0x0;
	s10 =	sadd.s32 $0x146200, s13;
	s11 =	sadd.s32 $0x146A00, s13  }
0xf: {  	s9 =	smax.u32 s9, $0x1;
	s12 =	sadd.s32 $0x147200, s13;
	s13 =	sadd.s32 $0x147A00, s13  }
.LBB2_1:
0x10: {  	[tilespmem:s2], [sflag:$0x3] =	stream.linear.gather [hbm4b:s4+s2], $0x400, $0x38;
	[tilespmem:$0x8400] =	vst v63  }
0x11: {  	_ =	swait.ge [sflag:s14], $0x400  }
0x12: {  	[sflag:s14] =	ssyncset.done $0x0  }
0x13: {  	s28 =	simm.s32 $0x0;
	s29 =	simm.s32 $0x40;
	[sflag:s14] =	ssyncadd.s32 $0xFFFFFC00  }
.LBB2_2:
0x14: {  	p0 =	sne.s32 s29, $0xFC0;
	v1 =	vld [tilespmem:s28+$0x0];
	_ =	sdelay $0x1  }
.Ltmp0:
0x15: {  	(pc) =	sbr.rel @p0 .LBB2_2-.Ltmp0, $3  }
0x16: {  	_ =	sdelay $0x1  }
0x17: {  	v1 =	vadd.s32 v0, v1  }
0x18: {  	[tilespmem:s28+$0x0] =	vst v1;
	s28 =	sshra.s32 s29, $0x2;
	s29 =	sadd.s32 $0x40, s29  }
0x19: {  	v1 =	vld [tilespmem:s28+$0x0];
	_ =	sdelay $0x4  }
0x1a: {  	v1 =	vadd.s32 v0, v1  }
0x1b: {  	[tilespmem:s28+$0x0] =	vst v1  }
0x1c: {  	[tilespmem:s16], [sflag:$0x1] =	stream.indirect.gather [hbm4b:s3+s15], $0x80, s2, s15, $0xb8;
	[tilespmem:$0x8400] =	vst v63  }
0x1d: {  	_ = 	snop  }
0x1e: {  	[tilespmem:s17], [sflag:$0x2] =	stream.indirect.gather [hbm4b:s3+s15], $0x80, s15, s15, $0xb8;
	[tilespmem:$0x8400] =	vst v63  }
0x1f: {  	_ =	swait.ge [sflag:s18], $0x4000  }
0x20: {  	[sflag:s18] =	ssyncset.done $0x0  }
0x21: {  	[sflag:s18] =	ssyncadd.s32 $0xFFFFC000  }
0x22: {  	[hbm4b:s5+s2] =	stream.linear.scatter [tilespmem:s16], [sflag:$0x3], $0x4000, $0x38;
	[tilespmem:$0x8400] =	vst v63  }
0x23: {  	_ =	swait.ge [sflag:s14], $0x4000  }
0x24: {  	[sflag:s14] =	ssyncset.done $0x0  }
0x25: {  	[sflag:s14] =	ssyncadd.s32 $0xFFFFC000  }
0x26: {  	[tilespmem:s16], [sflag:$0x1] =	stream.indirect.gather [hbm4b:s3+s15], $0x80, s19, s15, $0xb8;
	[tilespmem:$0x8400] =	vst v63  }
0x27: {  	_ =	swait.ge [sflag:s20], $0x4000  }
0x28: {  	[sflag:s20] =	ssyncset.done $0x0  }
0x29: {  	[sflag:s20] =	ssyncadd.s32 $0xFFFFC000  }
0x2a: {  	[hbm4b:s6+s2] =	stream.linear.scatter [tilespmem:s17], [sflag:$0x3], $0x4000, $0x38;
	[tilespmem:$0x8400] =	vst v63  }
0x2b: {  	_ =	swait.ge [sflag:s14], $0x4000  }
0x2c: {  	[sflag:s14] =	ssyncset.done $0x0  }
0x2d: {  	[sflag:s14] =	ssyncadd.s32 $0xFFFFC000  }
0x2e: {  	[tilespmem:s17], [sflag:$0x2] =	stream.indirect.gather [hbm4b:s3+s15], $0x80, s21, s15, $0xb8;
	[tilespmem:$0x8400] =	vst v63  }
0x2f: {  	_ =	swait.ge [sflag:s18], $0x4000  }
0x30: {  	[sflag:s18] =	ssyncset.done $0x0  }
0x31: {  	[sflag:s18] =	ssyncadd.s32 $0xFFFFC000  }
0x32: {  	[hbm4b:s7+s2] =	stream.linear.scatter [tilespmem:s16], [sflag:$0x3], $0x4000, $0x38;
	[tilespmem:$0x8400] =	vst v63  }
0x33: {  	_ =	swait.ge [sflag:s14], $0x4000  }
0x34: {  	[sflag:s14] =	ssyncset.done $0x0  }
0x35: {  	[sflag:s14] =	ssyncadd.s32 $0xFFFFC000  }
0x36: {  	[tilespmem:s16], [sflag:$0x1] =	stream.indirect.gather [hbm4b:s3+s15], $0x80, s22, s15, $0xb8;
	[tilespmem:$0x8400] =	vst v63  }
0x37: {  	_ =	swait.ge [sflag:s20], $0x4000  }
0x38: {  	[sflag:s20] =	ssyncset.done $0x0  }
0x39: {  	[sflag:s20] =	ssyncadd.s32 $0xFFFFC000  }
0x3a: {  	[hbm4b:s8+s2] =	stream.linear.scatter [tilespmem:s17], [sflag:$0x3], $0x4000, $0x38;
	[tilespmem:$0x8400] =	vst v63  }
0x3b: {  	_ =	swait.ge [sflag:s14], $0x4000  }
0x3c: {  	[sflag:s14] =	ssyncset.done $0x0  }
0x3d: {  	[sflag:s14] =	ssyncadd.s32 $0xFFFFC000  }
0x3e: {  	[tilespmem:s17], [sflag:$0x2] =	stream.indirect.gather [hbm4b:s3+s15], $0x80, s23, s15, $0xb8;
	[tilespmem:$0x8400] =	vst v63  }
0x3f: {  	_ =	swait.ge [sflag:s18], $0x4000  }
0x40: {  	[sflag:s18] =	ssyncset.done $0x0  }
0x41: {  	[sflag:s18] =	ssyncadd.s32 $0xFFFFC000  }
0x42: {  	[hbm4b:s10+s2] =	stream.linear.scatter [tilespmem:s16], [sflag:$0x3], $0x4000, $0x38;
	[tilespmem:$0x8400] =	vst v63  }
0x43: {  	_ =	swait.ge [sflag:s14], $0x4000  }
0x44: {  	[sflag:s14] =	ssyncset.done $0x0  }
0x45: {  	[sflag:s14] =	ssyncadd.s32 $0xFFFFC000  }
0x46: {  	[tilespmem:s16], [sflag:$0x1] =	stream.indirect.gather [hbm4b:s3+s15], $0x80, s24, s15, $0xb8;
	[tilespmem:$0x8400] =	vst v63  }
0x47: {  	_ =	swait.ge [sflag:s20], $0x4000  }
0x48: {  	[sflag:s20] =	ssyncset.done $0x0  }
0x49: {  	[sflag:s20] =	ssyncadd.s32 $0xFFFFC000  }
0x4a: {  	[hbm4b:s11+s2] =	stream.linear.scatter [tilespmem:s17], [sflag:$0x3], $0x4000, $0x38;
	[tilespmem:$0x8400] =	vst v63  }
0x4b: {  	_ =	swait.ge [sflag:s14], $0x4000  }
0x4c: {  	[sflag:s14] =	ssyncset.done $0x0  }
0x4d: {  	[sflag:s14] =	ssyncadd.s32 $0xFFFFC000  }
0x4e: {  	[tilespmem:s17], [sflag:$0x2] =	stream.indirect.gather [hbm4b:s3+s15], $0x80, s25, s15, $0xb8;
	[tilespmem:$0x8400] =	vst v63  }
0x4f: {  	_ =	swait.ge [sflag:s18], $0x4000  }
0x50: {  	[sflag:s18] =	ssyncset.done $0x0  }
0x51: {  	[sflag:s18] =	ssyncadd.s32 $0xFFFFC000  }
0x52: {  	[hbm4b:s12+s2] =	stream.linear.scatter [tilespmem:s16], [sflag:$0x3], $0x4000, $0x38;
	[tilespmem:$0x8400] =	vst v63  }
0x53: {  	_ =	swait.ge [sflag:s14], $0x4000  }
0x54: {  	[sflag:s14] =	ssyncset.done $0x0  }
0x55: {  	[sflag:s14] =	ssyncadd.s32 $0xFFFFC000  }
0x56: {  	s26 =	sadd.s32 $0x1, s26;
	_ =	swait.ge [sflag:s20], $0x4000  }
0x57: {  	p0 =	sne.s32 s26, s9;
	[sflag:s20] =	ssyncset.done $0x0  }
.Ltmp1:
0x58: {  	[sflag:s20] =	ssyncadd.s32 $0xFFFFC000;
	(pc) =	sbr.rel @p0 .LBB2_1-.Ltmp1, $4  }
0x59: {  	[hbm4b:s13+s2] =	stream.linear.scatter [tilespmem:s17], [sflag:$0x3], $0x4000, $0x38;
	[tilespmem:$0x8400] =	vst v63  }
0x5a: {  	_ =	swait.ge [sflag:s14], $0x4000  }
0x5b: {  	[sflag:s14] =	ssyncset.done $0x0  }
0x5c: {  	[sflag:s14] =	ssyncadd.s32 $0xFFFFC000  }
0x5d: {  	_ =	sfence.sel $0x180000  }
0x5e: {  	[bflag:$0x0] =	sbarrier.arrive $0xFFFF  }
0x5f: {  	p0 =	sne.s32 s0, $0x0;
	_ =	strace $0x9000004A  }
0x60: {  	s0 =	sadd.s32 @!p0 $0x100000, s1;
	[bflag:$0x2] =	sbarrier.arrive $0xFFFF  }
0x61: {  	[sflag:s0] =	ssyncadd.tile.s32 @!p0 $0x1;
	_ =	shalt  }
.Lfunc_end2:
_tile_overlayer_lowered:
.L_overlay_start_2:
0x62: {  	(tag) =	ssettag $0x2  }
0x63: {  	s0 =	rddreg [dreg:$0x0];
	s2 =	stileid.u32  }
0x64: {  	s1 =	rddreg [dreg:$0x1];
	p0 =	sne.s32 s2, $0x0  }
0x65: {  	s3 =	rddreg [dreg:$0x2];
	[bflag:$0x3] =	sbarrier.arrive $0xFFFF;
	s2 =	simm.s32 @!p0 $0x1C03  }
0x66: {  	[timem:s3], [sflag:s2] =	dma.local @!p0 [hbm:s0], s1  }
0x67: {  	s0 =	simm.s32 @!p0 $0x3  }
0x68: {  	_ =	swait.ge @!p0 [sflag:s0], s1  }
0x69: {  	s1 =	ssub.s32 @!p0 $0x0, s1;
	[sflag:s0] =	ssyncset.done @!p0 $0x0  }
0x6a: {  	[sflag:s0] =	ssyncadd.s32 @!p0 s1  }
0x6b: {  	[bflag:$0x3] =	sbarrier.arrive $0xFFFF  }
0x6c: {  	_ =	shalt  }

// kernel: kernel.19.cloned.1.call-start
scs
__scs_entry_jumppad:
0x0: {  	(pc) =	sbr.rel $0x88, $3  }
0x1: {  	(tag) =	ssettag $0x0;
	lr =	simm.s32 $0x1  }
0x2: {  	[smem:$0x3F9D] =	sst lr;
	_ =	strace $0xD0000000  }
0x3: {  	_ = 	snop  }
0x4: {  	_ = 	snop  }
0x5: {  	_ = 	snop  }
0x6: {  	_ = 	snop  }
0x7: {  	_ = 	snop  }
__scs_overlays_trampoline_lowered:
0x8: {  	[smem:$0x3FAC] =	sst s0  }
0x9: {  	[smem:$0x3FAD] =	sst s1  }
0xa: {  	[smem:$0x3FAE] =	sst s2  }
0xb: {  	[smem:$0x3FAF] =	sst s3  }
0xc: {  	[smem:$0x3FB0] =	sst s4  }
0xd: {  	[smem:$0x3FB1] =	sst s5  }
0xe: {  	[smem:$0x3FB2] =	sst s6  }
0xf: {  	[smem:$0x3FB3] =	sst s7  }
0x10: {  	[smem:$0x3FB4] =	sst s8  }
0x11: {  	[smem:$0x3FB5] =	sst s9;
	s0 =	simm.s32 @!p0 $0x0  }
0x12: {  	s1 =	sld [smem:$0x3F9B];
	s0 =	simm.s32 @p0 $0x1  }
0x13: {  	[smem:$0x3FB6] =	sst s0;
	s0 =	simm.s32 @!p1 $0x0  }
0x14: {  	s2 =	sld [smem:$0x3F9A];
	s0 =	simm.s32 @p1 $0x1  }
0x15: {  	[smem:$0x3FB7] =	sst s0;
	s0 =	simm.s32 @!p2 $0x0  }
0x16: {  	s3 =	sld [smem:$0x3FDB];
	s0 =	simm.s32 @p2 $0x1  }
0x17: {  	s4 =	simm.s32 $0x1BF5;
	[smem:$0x3FB9] =	sst s0  }
0x18: {  	s0 =	sld [smem:$0x3F9C];
	_ =	swait.ge [sflag:s4], $0x0  }
0x19: {  	s7 =	sld [smem:$0x3F9D]  }
0x1a: {  	s8 =	sadd.s32 $0xFFFFE003, lr  }
0x1b: {  	s9 =	sadd.s32 $0xFFFFFEF7, lr;
	s5 =	simm.s32 $0xFFFFFFFF;
	p2 =	slt.u32 s8, $0xFFFFF086  }
0x1c: {  	p1 =	slt.u32 s9, $0xF7A;
	s5 =	simm.s32 @!p2 $0x0  }
0x1d: {  	s5 =	simm.s32 @p1 $0x1;
	p0 =	seq.s32 s7, s2  }
0x1e: {  	s7 =	smul.u32 @!p0 $0xF7A, s2;
	p2 =	seq.s32 @!p0 s5, $0x0  }
0x1f: {  	s9 =	smul.u32 $0xF7A, s1;
	s8 =	simm.s32 @!p0 $0x1BF5;
	p2 =	por !p2, p0  }
0x20: {  	[sflag:s8] =	ssyncset.s32 @!p0 $0xFFFFF086;
	s6 =	sadd.s32 @!p0 s3, s7;
	s7 =	simm.s32 @!p0 $0x108  }
0x21: {  	s3 =	sadd.s32 s3, s9;
	s6 =	sadd.s32 @!p0 $0x88, s6;
	s7 =	simm.s32 @p2 $0x1082  }
0x22: {  	[simem:s7], [sflag:s8] =	dma.local @!p0 [hbm:s6], $0xF7A  }
0x23: {  	s9 =	sor.u32 $0xD0000000, s2;
	s6 =	simm.s32 $0x108;
	_ =	swait.ge @!p0 [sflag:s8], $0x0  }
0x24: {  	s3 =	sadd.s32 $0x88, s3;
	s6 =	simm.s32 @!p1 $0x1082;
	[sflag:s4] =	ssyncset.s32 $0xFFFFF086  }
0x25: {  	[simem:s6], [sflag:s4] =	dma.local [hbm:s3], $0xF7A  }
0x26: {  	[smem:$0x3F9D] =	sst s1;
	(tag) =	ssettag s2;
	_ =	strace s9  }
0x27: {  	s1 =	sld [smem:$0x3FAD]  }
0x28: {  	s2 =	sld [smem:$0x3FAE]  }
0x29: {  	s4 =	sld [smem:$0x3FB0]  }
0x2a: {  	p0 =	seq.s32 s5, $0x0;
	s5 =	sld [smem:$0x3FB1]  }
0x2b: {  	s6 =	sld [smem:$0x3FB2]  }
0x2c: {  	s7 =	sld [smem:$0x3FB3]  }
0x2d: {  	s3 =	simm.s32 $0x108;
	s8 =	sld [smem:$0x3FB4]  }
0x2e: {  	s3 =	simm.s32 @!p0 $0x1082;
	s9 =	sld [smem:$0x3FB5]  }
0x2f: {  	lr =	sadd.s32 s0, s3;
	s0 =	sld [smem:$0x3FAC]  }
0x30: {  	s3 =	sld [smem:$0x3FAF]  }
0x31: {  	[smem:$0x3FB8] =	sst s10  }
0x32: {  	s10 =	sld [smem:$0x3FB6];
	_ =	sdelay $0x3  }
0x33: {  	p0 =	seq.s32 s10, $0x1;
	s10 =	sld [smem:$0x3FB8];
	_ =	sdelay $0x3  }
0x34: {  	[smem:$0x3FB8] =	sst s10  }
0x35: {  	s10 =	sld [smem:$0x3FB7];
	_ =	sdelay $0x3  }
0x36: {  	p1 =	seq.s32 s10, $0x1;
	s10 =	sld [smem:$0x3FB8];
	_ =	sdelay $0x3  }
0x37: {  	[smem:$0x3FB8] =	sst s10  }
0x38: {  	s10 =	sld [smem:$0x3FB9]  }
0x39: {  	_ = 	snop;
	(pc) =	sbr.ind lr, $3  }
0x3a: {  	_ = 	snop  }
0x3b: {  	_ = 	snop  }
0x3c: {  	p2 =	seq.s32 s10, $0x1;
	s10 =	sld [smem:$0x3FB8]  }
0x3d: {  	_ =	shalt  }
0x3e: {  	_ =	shalt  }
0x3f: {  	_ =	shalt  }
0x40: {  	_ =	shalt  }
0x41: {  	_ =	shalt  }
0x42: {  	_ =	shalt  }
0x43: {  	_ =	shalt  }
0x44: {  	_ =	shalt  }
0x45: {  	_ =	shalt  }
0x46: {  	_ =	shalt  }
0x47: {  	_ =	shalt  }
0x48: {  	_ =	shalt  }
0x49: {  	_ =	shalt  }
0x4a: {  	_ =	shalt  }
0x4b: {  	_ =	shalt  }
0x4c: {  	_ =	shalt  }
0x4d: {  	_ =	shalt  }
0x4e: {  	_ =	shalt  }
0x4f: {  	_ =	shalt  }
0x50: {  	_ =	shalt  }
0x51: {  	_ =	shalt  }
0x52: {  	_ =	shalt  }
0x53: {  	_ =	shalt  }
0x54: {  	_ =	shalt  }
0x55: {  	_ =	shalt  }
0x56: {  	_ =	shalt  }
0x57: {  	_ =	shalt  }
0x58: {  	_ =	shalt  }
0x59: {  	_ =	shalt  }
0x5a: {  	_ =	shalt  }
0x5b: {  	_ =	shalt  }
0x5c: {  	_ =	shalt  }
0x5d: {  	_ =	shalt  }
0x5e: {  	_ =	shalt  }
0x5f: {  	_ =	shalt  }
0x60: {  	_ =	shalt  }
0x61: {  	_ =	shalt  }
0x62: {  	_ =	shalt  }
0x63: {  	_ =	shalt  }
0x64: {  	_ =	shalt  }
0x65: {  	_ =	shalt  }
0x66: {  	_ =	shalt  }
0x67: {  	_ =	shalt  }
0x68: {  	_ =	shalt  }
0x69: {  	_ =	shalt  }
0x6a: {  	_ =	shalt  }
0x6b: {  	_ =	shalt  }
0x6c: {  	_ =	shalt  }
0x6d: {  	_ =	shalt  }
0x6e: {  	_ =	shalt  }
0x6f: {  	_ =	shalt  }
0x70: {  	_ =	shalt  }
0x71: {  	_ =	shalt  }
0x72: {  	_ =	shalt  }
0x73: {  	_ =	shalt  }
0x74: {  	_ =	shalt  }
0x75: {  	_ =	shalt  }
0x76: {  	_ =	shalt  }
0x77: {  	_ =	shalt  }
0x78: {  	_ =	shalt  }
0x79: {  	_ =	shalt  }
0x7a: {  	_ =	shalt  }
0x7b: {  	_ =	shalt  }
0x7c: {  	_ =	shalt  }
0x7d: {  	_ =	shalt  }
0x7e: {  	_ =	shalt  }
0x7f: {  	_ =	shalt  }
0x80: {  	_ =	shalt  }
0x81: {  	_ =	shalt  }
0x82: {  	_ =	shalt  }
0x83: {  	_ =	shalt  }
0x84: {  	_ =	shalt  }
0x85: {  	_ =	shalt  }
0x86: {  	_ =	shalt  }
0x87: {  	_ =	shalt  }
.Lfunc_end0:
.L_simem_size_0:
called_computation.3_lowered:
.L_overlay_start_0:
0x88: {  	s2 =	sld [smem:$0x3FD9]  }
0x89: {  	s3 =	sld [smem:$0x3FFE];
	_ =	sdelay $0x1  }
0x8a: {  	s1 =	srdreg.scid  }
0x8b: {  	s0 =	sand.u32 $0x1, s1  }
0x8c: {  	s17 =	sshll.u32 s0, $0xA;
	s2 =	sadd.s32 s3, s2  }
0x8d: {  	s2 =	sadd.s32 s2, s17  }
0x8e: {  	[smem:$0x3FC4] =	sst s2  }
0x8f: {  	_ = 	snop  }
0x90: {  	(tm) =	ssettm $0x1  }
0x91: {  	s18 =	sld [smem:$0x3FFB];
	_ =	sdelay $0x3  }
0x92: {  	_ =	strace s18  }
0x93: {  	s2 =	sld [smem:$0x3FFC];
	_ =	sdelay $0x3  }
0x94: {  	_ =	strace s2  }
0x95: {  	s2 =	sld [smem:$0x3FFD];
	_ =	sdelay $0x3  }
0x96: {  	_ =	strace s2  }
0x97: {  	_ =	strace $0x8FFFFFFF  }
0x98: {  	s19 =	sld [smem:$0x3FDB];
	_ =	sdelay $0x1  }
0x99: {  	s20 =	simm.s32 $_scs_section_size  }
0x9a: {  	s4 =	simm.s32 $_size__tile_overlayer_lowered;
	s5 =	simm.s32 $_tile_overlayer_lowered  }
0x9b: {  	s6 =	simm.s32 $0x1BFF;
	s21 =	sshll.u32 s5, $0x1;
	s3 =	sadd.s32 s20, s19  }
0x9c: {  	s22 =	simm.s32 $0x0;
	s4 =	sshll.u32 s4, $0x1;
	s5 =	sadd.s32 s21, s3  }
0x9d: {  	[timem:s22], [sflag:s6] =	dma.local [hbm:s5], s4  }
0x9e: {  	_ =	swait.ge [sflag:s6], s4  }
0x9f: {  	s4 =	ssub.s32 $0x0, s4;
	[sflag:s6] =	ssyncset.done $0x0  }
0xa0: {  	[sflag:s6] =	ssyncadd.s32 s4;
	_ =	sdelay $0x1  }
0xa1: {  	s23 =	simm.s32 $0x1B8B  }
0xa2: {  	_ =	swait.ge [sflag:s23], $0x1  }
0xa3: {  	[sflag:s23] =	ssyncset.done $0x0  }
0xa4: {  	[sflag:s23] =	ssyncadd.s32 $0xFFFFFFFF  }
0xa5: {  	s4 =	sld [smem:$0x0]  }
0xa6: {  	s5 =	sand.u32 $0xFFFFFFFE, s1  }
0xa7: {  	p0 =	sne.s32 s1, s5  }
0xa8: {  	s5 =	sshll.u32 @p0 s5, $0xE  }
0xa9: {  	s5 =	sadd.s32 @p0 $0x11B8D, s5;
	s6 =	sshll.u32 @p0 s4, $0x11  }
0xaa: {  	s5 =	sor.u32 @p0 s6, s5  }
0xab: {  	[sflag:s5] =	ssyncadd.remote.s32 @p0 $0x1;
	_ =	sdelay $0x1  }
0xac: {  	s5 =	simm.s32 @p0 $0x1B8D  }
0xad: {  	_ =	swait.eq @p0 [sflag:s5], $0x1  }
0xae: {  	[sflag:s5] =	ssyncadd.s32 @p0 $0xFFFFFFFF  }
0xaf: {  	s6 =	sshll.u32 @!p0 s1, $0xE  }
0xb0: {  	s6 =	sor.u32 @!p0 $0x4000, s6;
	s5 =	simm.s32 @!p0 $0x1B8D  }
0xb1: {  	s4 =	sshll.u32 @!p0 s4, $0x11;
	s6 =	sadd.s32 @!p0 $0x11B8D, s6;
	_ =	swait.eq @!p0 [sflag:s5], $0x1  }
0xb2: {  	s4 =	sor.u32 @!p0 s4, s6;
	[sflag:s5] =	ssyncadd.s32 @!p0 $0xFFFFFFFF  }
0xb3: {  	s25 =	simm.s32 $0x1B8E;
	s24 =	sld [smem:$0x3FFE];
	[sflag:s4] =	ssyncadd.remote.s32 @!p0 $0x1  }
0xb4: {  	s26 =	simm.s32 $execute0_lowered;
	[smem:$0x3FD2] =	sst s25  }
0xb5: {  	s5 =	sshll.u32 s26, $0x1;
	_ =	strace $0x8000004C;
	[dreg:$0x1] =	wrdreg $0xFFFFFFFF  }
0xb6: {  	s28 =	simm.s32 $_size_execute0_lowered;
	s3 =	sadd.s32 s3, s5;
	[dreg:$0x0] =	wrdreg $0x0  }
0xb7: {  	s5 =	sshll.u32 s28, $0x1;
	[dreg:$0x2] =	wrdreg s3  }
0xb8: {  	[dreg:$0x3] =	wrdreg s5  }
0xb9: {  	[dreg:$0x4] =	wrdreg $0xC0  }
0xba: {  	_ =	task [dreg:s22], $0x5FFFF  }
0xbb: {  	[dreg:$0x1] =	wrdreg $0xFFFFFFFF  }
0xbc: {  	[dreg:$0x0] =	wrdreg $0x60  }
0xbd: {  	[dreg:$0x2] =	wrdreg s24  }
0xbe: {  	[dreg:$0x3] =	wrdreg $0xC  }
0xbf: {  	_ =	task.clear_ibuf [dreg:s22], $0x4FFFF;
	_ =	strace $0x9000004C  }
0xc0: {  	s29 =	simm.s32 $0xC;
	_ =	strace $0x8000004E  }
0xc1: {  	_ =	swait.ge [sflag:s29], $0x1  }
0xc2: {  	[sflag:s29] =	ssyncadd.s32 $0xFFFFFFFF  }
0xc3: {  	_ =	strace $0x9000004E  }
0xc4: {  	_ =	sfence  }
0xc5: {  	s30 =	sld [smem:$0x0];
	_ =	sdelay $0x2  }
0xc6: {  	s31 =	sshll.u32 s1, $0xD;
	s1 =	sshrl.u32 s1, $0x2  }
0xc7: {  	s4 =	sand.u32 $0x4000, s31;
	s1 =	sadd.s32 s1, s30  }
0xc8: {  	s0 =	sor.u32 s4, s0;
	s1 =	sshll.u32 s1, $0x11  }
0xc9: {  	s0 =	sor.u32 s1, s0  }
0xca: {  	s0 =	sadd.s32 $0x8F2B, s0  }
0xcb: {  	[sflag:s0] =	ssyncadd.remote.s32 $0x1  }
0xcc: {  	_ =	sfence.sel $0xFFFF  }
0xcd: {  	[dreg:$0x0] =	wrdreg $0xFFFFFFFF;
	(pc) =	sbr.abs _section_cstart, $3  }
0xce: {  	[dreg:$0x1] =	wrdreg $0xFFFFFFFF  }
0xcf: {  	_ =	task.clear_ibuf [dreg:s22], $0x2FFFF;
	_ =	strace $0x9FFFFFFF  }
0xd0: {  	(tm) =	ssettm $0x7FFFFFFF  }
0xd1: {  	_ =	shalt  }
tec
execute0_lowered:
.L_overlay_start_1:
0x0: {  	(tag) =	ssettag $0x1  }
0x1: {  	s1 =	srdreg.scid;
	s0 =	stileid.u32  }
0x2: {  	s5 =	rddreg [dreg:$0x0];
	s2 =	simm.s32 $0x0;
	s14 =	simm.s32 $0x3  }
0x3: {  	s15 =	simm.s32 $0x80;
	s16 =	simm.s32 $0x400;
	s17 =	simm.s32 $0x4400  }
0x4: {  	s18 =	simm.s32 $0x1;
	s19 =	simm.s32 $0x100;
	s20 =	simm.s32 $0x2  }
0x5: {  	s21 =	simm.s32 $0x180;
	s22 =	simm.s32 $0x200;
	s23 =	simm.s32 $0x280  }
0x6: {  	s25 =	simm.s32 $0x380;
	s4 =	sand.u32 $0x1, s1;
	s1 =	rddreg [dreg:$0x1]  }
0x7: {  	s3 =	sshll.u32 s0, $0xB;
	[smem:$0x7FF] =	sst s2;
	s6 =	sshll.u32 s4, $0xA  }
0x8: {  	s30 =	sshll.u32 s0, $0xA;
	_ =	strace $0x8000004D;
	s3 =	sor.u32 s6, s3  }
0x9: {  	s31 =	ssub.s32 $0x2, s4;
	s24 =	sand.u32 $0x2000, s30;
	s6 =	sshrl.u32 s3, $0x3  }
0xa: {  	v0 =	vmov s24;
	s24 =	simm.s32 $0x300;
	s7 =	sshll.u32 s3, $0x4;
	s6 =	sadd.s32 s6, s5  }
0xb: {  	s3 =	sadd.s32 $0x82200, s5;
	s13 =	sadd.s32 s7, s5;
	s4 =	sadd.s32 $0xC3200, s6  }
0xc: {  	s8 =	sshrl.u32 s31, $0x1;
	s5 =	sadd.s32 $0x1C4200, s13;
	s6 =	sadd.s32 $0x1C4A00, s13  }
0xd: {  	s9 =	ssub.s32 s31, s8;
	s7 =	sadd.s32 $0x1C5200, s13;
	s8 =	sadd.s32 $0x1C5A00, s13  }
0xe: {  	s26 =	simm.s32 $0x0;
	s10 =	sadd.s32 $0x1C6200, s13;
	s11 =	sadd.s32 $0x1C6A00, s13  }
0xf: {  	s9 =	smax.u32 s9, $0x1;
	s12 =	sadd.s32 $0x1C7200, s13;
	s13 =	sadd.s32 $0x1C7A00, s13  }
.LBB2_1:
0x10: {  	[tilespmem:s2], [sflag:$0x3] =	stream.linear.gather [hbm4b:s4+s2], $0x400, $0x38;
	[tilespmem:$0x8400] =	vst v63  }
0x11: {  	_ =	swait.ge [sflag:s14], $0x400  }
0x12: {  	[sflag:s14] =	ssyncset.done $0x0  }
0x13: {  	s28 =	simm.s32 $0x0;
	s29 =	simm.s32 $0x40;
	[sflag:s14] =	ssyncadd.s32 $0xFFFFFC00  }
.LBB2_2:
0x14: {  	p0 =	sne.s32 s29, $0xFC0;
	v1 =	vld [tilespmem:s28+$0x0];
	_ =	sdelay $0x1  }
.Ltmp0:
0x15: {  	(pc) =	sbr.rel @p0 .LBB2_2-.Ltmp0, $3  }
0x16: {  	_ =	sdelay $0x1  }
0x17: {  	v1 =	vadd.s32 v0, v1  }
0x18: {  	[tilespmem:s28+$0x0] =	vst v1;
	s28 =	sshra.s32 s29, $0x2;
	s29 =	sadd.s32 $0x40, s29  }
0x19: {  	v1 =	vld [tilespmem:s28+$0x0];
	_ =	sdelay $0x4  }
0x1a: {  	v1 =	vadd.s32 v0, v1  }
0x1b: {  	[tilespmem:s28+$0x0] =	vst v1  }
0x1c: {  	[tilespmem:s16], [sflag:$0x1] =	stream.indirect.gather [hbm4b:s3+s15], $0x80, s2, s15, $0xb8;
	[tilespmem:$0x8400] =	vst v63  }
0x1d: {  	_ = 	snop  }
0x1e: {  	[tilespmem:s17], [sflag:$0x2] =	stream.indirect.gather [hbm4b:s3+s15], $0x80, s15, s15, $0xb8;
	[tilespmem:$0x8400] =	vst v63  }
0x1f: {  	_ =	swait.ge [sflag:s18], $0x4000  }
0x20: {  	[sflag:s18] =	ssyncset.done $0x0  }
0x21: {  	[sflag:s18] =	ssyncadd.s32 $0xFFFFC000  }
0x22: {  	[hbm4b:s5+s2] =	stream.linear.scatter [tilespmem:s16], [sflag:$0x3], $0x4000, $0x38;
	[tilespmem:$0x8400] =	vst v63  }
0x23: {  	_ =	swait.ge [sflag:s14], $0x4000  }
0x24: {  	[sflag:s14] =	ssyncset.done $0x0  }
0x25: {  	[sflag:s14] =	ssyncadd.s32 $0xFFFFC000  }
0x26: {  	[tilespmem:s16], [sflag:$0x1] =	stream.indirect.gather [hbm4b:s3+s15], $0x80, s19, s15, $0xb8;
	[tilespmem:$0x8400] =	vst v63  }
0x27: {  	_ =	swait.ge [sflag:s20], $0x4000  }
0x28: {  	[sflag:s20] =	ssyncset.done $0x0  }
0x29: {  	[sflag:s20] =	ssyncadd.s32 $0xFFFFC000  }
0x2a: {  	[hbm4b:s6+s2] =	stream.linear.scatter [tilespmem:s17], [sflag:$0x3], $0x4000, $0x38;
	[tilespmem:$0x8400] =	vst v63  }
0x2b: {  	_ =	swait.ge [sflag:s14], $0x4000  }
0x2c: {  	[sflag:s14] =	ssyncset.done $0x0  }
0x2d: {  	[sflag:s14] =	ssyncadd.s32 $0xFFFFC000  }
0x2e: {  	[tilespmem:s17], [sflag:$0x2] =	stream.indirect.gather [hbm4b:s3+s15], $0x80, s21, s15, $0xb8;
	[tilespmem:$0x8400] =	vst v63  }
0x2f: {  	_ =	swait.ge [sflag:s18], $0x4000  }
0x30: {  	[sflag:s18] =	ssyncset.done $0x0  }
0x31: {  	[sflag:s18] =	ssyncadd.s32 $0xFFFFC000  }
0x32: {  	[hbm4b:s7+s2] =	stream.linear.scatter [tilespmem:s16], [sflag:$0x3], $0x4000, $0x38;
	[tilespmem:$0x8400] =	vst v63  }
0x33: {  	_ =	swait.ge [sflag:s14], $0x4000  }
0x34: {  	[sflag:s14] =	ssyncset.done $0x0  }
0x35: {  	[sflag:s14] =	ssyncadd.s32 $0xFFFFC000  }
0x36: {  	[tilespmem:s16], [sflag:$0x1] =	stream.indirect.gather [hbm4b:s3+s15], $0x80, s22, s15, $0xb8;
	[tilespmem:$0x8400] =	vst v63  }
0x37: {  	_ =	swait.ge [sflag:s20], $0x4000  }
0x38: {  	[sflag:s20] =	ssyncset.done $0x0  }
0x39: {  	[sflag:s20] =	ssyncadd.s32 $0xFFFFC000  }
0x3a: {  	[hbm4b:s8+s2] =	stream.linear.scatter [tilespmem:s17], [sflag:$0x3], $0x4000, $0x38;
	[tilespmem:$0x8400] =	vst v63  }
0x3b: {  	_ =	swait.ge [sflag:s14], $0x4000  }
0x3c: {  	[sflag:s14] =	ssyncset.done $0x0  }
0x3d: {  	[sflag:s14] =	ssyncadd.s32 $0xFFFFC000  }
0x3e: {  	[tilespmem:s17], [sflag:$0x2] =	stream.indirect.gather [hbm4b:s3+s15], $0x80, s23, s15, $0xb8;
	[tilespmem:$0x8400] =	vst v63  }
0x3f: {  	_ =	swait.ge [sflag:s18], $0x4000  }
0x40: {  	[sflag:s18] =	ssyncset.done $0x0  }
0x41: {  	[sflag:s18] =	ssyncadd.s32 $0xFFFFC000  }
0x42: {  	[hbm4b:s10+s2] =	stream.linear.scatter [tilespmem:s16], [sflag:$0x3], $0x4000, $0x38;
	[tilespmem:$0x8400] =	vst v63  }
0x43: {  	_ =	swait.ge [sflag:s14], $0x4000  }
0x44: {  	[sflag:s14] =	ssyncset.done $0x0  }
0x45: {  	[sflag:s14] =	ssyncadd.s32 $0xFFFFC000  }
0x46: {  	[tilespmem:s16], [sflag:$0x1] =	stream.indirect.gather [hbm4b:s3+s15], $0x80, s24, s15, $0xb8;
	[tilespmem:$0x8400] =	vst v63  }
0x47: {  	_ =	swait.ge [sflag:s20], $0x4000  }
0x48: {  	[sflag:s20] =	ssyncset.done $0x0  }
0x49: {  	[sflag:s20] =	ssyncadd.s32 $0xFFFFC000  }
0x4a: {  	[hbm4b:s11+s2] =	stream.linear.scatter [tilespmem:s17], [sflag:$0x3], $0x4000, $0x38;
	[tilespmem:$0x8400] =	vst v63  }
0x4b: {  	_ =	swait.ge [sflag:s14], $0x4000  }
0x4c: {  	[sflag:s14] =	ssyncset.done $0x0  }
0x4d: {  	[sflag:s14] =	ssyncadd.s32 $0xFFFFC000  }
0x4e: {  	[tilespmem:s17], [sflag:$0x2] =	stream.indirect.gather [hbm4b:s3+s15], $0x80, s25, s15, $0xb8;
	[tilespmem:$0x8400] =	vst v63  }
0x4f: {  	_ =	swait.ge [sflag:s18], $0x4000  }
0x50: {  	[sflag:s18] =	ssyncset.done $0x0  }
0x51: {  	[sflag:s18] =	ssyncadd.s32 $0xFFFFC000  }
0x52: {  	[hbm4b:s12+s2] =	stream.linear.scatter [tilespmem:s16], [sflag:$0x3], $0x4000, $0x38;
	[tilespmem:$0x8400] =	vst v63  }
0x53: {  	_ =	swait.ge [sflag:s14], $0x4000  }
0x54: {  	[sflag:s14] =	ssyncset.done $0x0  }
0x55: {  	[sflag:s14] =	ssyncadd.s32 $0xFFFFC000  }
0x56: {  	s26 =	sadd.s32 $0x1, s26;
	_ =	swait.ge [sflag:s20], $0x4000  }
0x57: {  	p0 =	sne.s32 s26, s9;
	[sflag:s20] =	ssyncset.done $0x0  }
.Ltmp1:
0x58: {  	[sflag:s20] =	ssyncadd.s32 $0xFFFFC000;
	(pc) =	sbr.rel @p0 .LBB2_1-.Ltmp1, $4  }
0x59: {  	[hbm4b:s13+s2] =	stream.linear.scatter [tilespmem:s17], [sflag:$0x3], $0x4000, $0x38;
	[tilespmem:$0x8400] =	vst v63  }
0x5a: {  	_ =	swait.ge [sflag:s14], $0x4000  }
0x5b: {  	[sflag:s14] =	ssyncset.done $0x0  }
0x5c: {  	[sflag:s14] =	ssyncadd.s32 $0xFFFFC000  }
0x5d: {  	_ =	sfence.sel $0x180000  }
0x5e: {  	[bflag:$0x0] =	sbarrier.arrive $0xFFFF  }
0x5f: {  	p0 =	sne.s32 s0, $0x0;
	_ =	strace $0x9000004D  }
0x60: {  	s0 =	sadd.s32 @!p0 $0x100000, s1;
	[bflag:$0x2] =	sbarrier.arrive $0xFFFF  }
0x61: {  	[sflag:s0] =	ssyncadd.tile.s32 @!p0 $0x1;
	_ =	shalt  }
.Lfunc_end2:
_tile_overlayer_lowered:
.L_overlay_start_2:
0x62: {  	(tag) =	ssettag $0x2  }
0x63: {  	s0 =	rddreg [dreg:$0x0];
	s2 =	stileid.u32  }
0x64: {  	s1 =	rddreg [dreg:$0x1];
	p0 =	sne.s32 s2, $0x0  }
0x65: {  	s3 =	rddreg [dreg:$0x2];
	[bflag:$0x3] =	sbarrier.arrive $0xFFFF;
	s2 =	simm.s32 @!p0 $0x1C03  }
0x66: {  	[timem:s3], [sflag:s2] =	dma.local @!p0 [hbm:s0], s1  }
0x67: {  	s0 =	simm.s32 @!p0 $0x3  }
0x68: {  	_ =	swait.ge @!p0 [sflag:s0], s1  }
0x69: {  	s1 =	ssub.s32 @!p0 $0x0, s1;
	[sflag:s0] =	ssyncset.done @!p0 $0x0  }
0x6a: {  	[sflag:s0] =	ssyncadd.s32 @!p0 s1  }
0x6b: {  	[bflag:$0x3] =	sbarrier.arrive $0xFFFF  }
0x6c: {  	_ =	shalt  }

</sc_bundles>
